<compile_context>
chip_gen: v7x
topology: tpu7x:2x2x1
jax: 0.10.2.dev20260603
libtpu: 0.0.44.dev20260713+nightly
codegen_flags: <defaults>
</compile_context>

<pallas_src>
import functools
import jax
import jax.numpy as jnp
from jax import lax
from jax.experimental import pallas as pl
from jax.experimental.pallas import tpu as pltpu
from jax.experimental.pallas import tpu_sc as plsc

VOCAB = 100004
EMBED_DIM = 128
BATCH = 4096
HIST_LEN = 200

_TOTAL = BATCH * HIST_LEN
_CHUNK = 128
_NW = 32
_PER_W = _TOTAL // _NW
_NCHUNK = _PER_W // _CHUNK
_NROW = 4


def _gather_body(idx_hbm, table_hbm, out_hbm, idx_v,
                 rows0, rows1, rows2, rows3, shared,
                 sg0, sg1, sg2, sg3, sx0, sx1, sx2, sx3, so0, so1):
    wid = lax.axis_index("s") * 2 + lax.axis_index("c")
    sid = lax.axis_index("s")
    base = wid * _PER_W

    pltpu.sync_copy(idx_hbm.at[pl.ds(base, _PER_W)], idx_v)

    rows = (rows0, rows1, rows2, rows3)
    sg = (sg0, sg1, sg2, sg3)
    sx = (sx0, sx1, sx2, sx3)
    so = (so0, so1)

    def gather_start(g, b):
        pltpu.async_copy(
            table_hbm.at[idx_v.at[pl.ds(g * _CHUNK, _CHUNK)]], rows[b], sg[b]
        )

    def wait_gather(b):
        pltpu.make_async_copy(
            table_hbm.at[idx_v.at[pl.ds(0, _CHUNK)]], rows[b], sg[b]
        ).wait()

    def xbar_start(b, s):
        pltpu.async_copy(rows[b], shared_at(s), sx[b])

    def wait_xbar(b, s):
        pltpu.make_async_copy(rows[b], shared_at(s), sx[b]).wait()

    def out_start(g, s):
        pltpu.async_copy(
            shared_at(s), out_hbm.at[pl.ds(base + g * _CHUNK, _CHUNK)], so[s]
        )

    def wait_out(s):
        pltpu.make_async_copy(
            shared_at(s), out_hbm.at[pl.ds(base, _CHUNK)], so[s]
        ).wait()

    def shared_at(s):
        return shared.at[sid, s]

    gather_start(0, 0)
    gather_start(1, 1)
    gather_start(2, 2)
    wait_gather(0)
    xbar_start(0, 0)
    gather_start(3, 3)
    wait_gather(1)
    xbar_start(1, 1)
    wait_xbar(0, 0)
    out_start(0, 0)
    gather_start(4, 0)

    @pl.loop(2, _NCHUNK - 6, step=_NROW)
    def _(g0):
        for k in range(_NROW):
            g = g0 + k
            b = (2 + k) % _NROW
            s = k % 2
            ob = (1 + k) % _NROW
            os_ = (1 + k) % 2
            wait_gather(b)
            wait_out(s)
            xbar_start(b, s)
            wait_xbar(ob, os_)
            out_start(g - 1, os_)
            gather_start(g + 3, (k + 1) % _NROW)

    for g in (_NCHUNK - 6, _NCHUNK - 5, _NCHUNK - 4):
        b = g % _NROW
        s = g % 2
        wait_gather(b)
        wait_out(s)
        xbar_start(b, s)
        wait_xbar((g - 1) % _NROW, (g - 1) % 2)
        out_start(g - 1, (g - 1) % 2)
        gather_start(g + 3, (g + 3) % _NROW)

    for g in (_NCHUNK - 3, _NCHUNK - 2, _NCHUNK - 1):
        b = g % _NROW
        s = g % 2
        wait_gather(b)
        wait_out(s)
        xbar_start(b, s)
        wait_xbar((g - 1) % _NROW, (g - 1) % 2)
        out_start(g - 1, (g - 1) % 2)

    g_last = _NCHUNK - 1
    wait_xbar(g_last % _NROW, g_last % 2)
    out_start(g_last, g_last % 2)
    wait_out(0)
    wait_out(1)


def kernel(input_indices, embedding_matrix):
    idx_flat = input_indices.reshape(_TOTAL)

    mesh = plsc.VectorSubcoreMesh(core_axis_name="c", subcore_axis_name="s")

    out_flat = pl.kernel(
        _gather_body,
        mesh=mesh,
        out_type=jax.ShapeDtypeStruct((_TOTAL, EMBED_DIM), jnp.float32),
        scratch_types=(
            [pltpu.VMEM((_PER_W,), jnp.int32)]
            + [pltpu.VMEM((_CHUNK, EMBED_DIM), jnp.float32)] * _NROW
            + [pltpu.VMEM_SHARED((16, 2, _CHUNK, EMBED_DIM), jnp.float32)]
            + [pltpu.SemaphoreType.DMA] * 10
        ),
    )(idx_flat, embedding_matrix)

    return out_flat.reshape(BATCH, HIST_LEN, EMBED_DIM)

# --- scband reference (transcript-rebuilt; emitter-appended) ---
"""Pipeline reference for scband-glove-embedding-50483045597265 (READ-ONLY COPY).

The authoritative reference and input builder live on the scoring server;
editing this copy changes nothing except your own understanding.
"""

import jax, jax.numpy as jnp
import numpy as np

VOCAB = 100004  # 100000 vocab words + 4 extra tokens
EMBED_DIM = 128
BATCH = 4096
HIST_LEN = 200


def setup_inputs(seed: int = 0) -> dict:
    key = jax.random.key(seed)
    k1, k2 = jax.random.split(key)
    input_indices = jax.random.randint(k1, (BATCH, HIST_LEN), 0, VOCAB, dtype=jnp.int32)
    # Learned (frozen) embedding table; in the original module this is loaded from a
    # GloVe text file into an nn.Parameter of shape [len(vocab_list)+4, embedding_dim].
    embedding_matrix = jax.random.normal(k2, (VOCAB, EMBED_DIM), dtype=jnp.float32)
    return {"input_indices": input_indices, "embedding_matrix": embedding_matrix}


def reference(input_indices, embedding_matrix):
    original_shape = input_indices.shape
    input_indices_flat = input_indices.reshape(-1)
    embeddings_flat = jnp.take(embedding_matrix, input_indices_flat, axis=0)
    new_shape = original_shape + (embedding_matrix.shape[1],)
    embeddings = embeddings_flat.reshape(new_shape)
    return embeddings

if __name__ == "__main__":
    import jax
    _d = setup_inputs()
    print(jax.jit(kernel)(*tuple(_d.values())))

</pallas_src>

<mosaic_0001>
#map = affine_map<(d0, d1) -> (0)>
#map1 = affine_map<(d0, d1) -> (0, 0)>
module attributes {stable_mosaic.version = 14 : i64} {
  func.func @_gather_body(%arg0: i32, %arg1: i32, %arg2: memref<819200xi32, #tpu.memory_space<hbm>>, %arg3: memref<100004x128xf32, #tpu.memory_space<hbm>>, %arg4: memref<819200x128xf32, #tpu.memory_space<hbm>>, %arg5: memref<25600xi32, #tpu.memory_space<vmem>>, %arg6: memref<128x128xf32, #tpu.memory_space<vmem>>, %arg7: memref<128x128xf32, #tpu.memory_space<vmem>>, %arg8: memref<128x128xf32, #tpu.memory_space<vmem>>, %arg9: memref<128x128xf32, #tpu.memory_space<vmem>>, %arg10: memref<16x2x128x128xf32, #tpu.memory_space<vmem_shared>>, %arg11: memref<!tpu.dma_semaphore, #tpu.memory_space<semaphore_mem>>, %arg12: memref<!tpu.dma_semaphore, #tpu.memory_space<semaphore_mem>>, %arg13: memref<!tpu.dma_semaphore, #tpu.memory_space<semaphore_mem>>, %arg14: memref<!tpu.dma_semaphore, #tpu.memory_space<semaphore_mem>>, %arg15: memref<!tpu.dma_semaphore, #tpu.memory_space<semaphore_mem>>, %arg16: memref<!tpu.dma_semaphore, #tpu.memory_space<semaphore_mem>>, %arg17: memref<!tpu.dma_semaphore, #tpu.memory_space<semaphore_mem>>, %arg18: memref<!tpu.dma_semaphore, #tpu.memory_space<semaphore_mem>>, %arg19: memref<!tpu.dma_semaphore, #tpu.memory_space<semaphore_mem>>, %arg20: memref<!tpu.dma_semaphore, #tpu.memory_space<semaphore_mem>>) attributes {dimension_semantics = [#tpu.dimension_semantics<core_parallel>, #tpu.dimension_semantics<subcore_parallel>], iteration_bounds = array<i64: 2, 16>, scalar_prefetch = 0 : i64, scratch_operands = 16 : i64, tpu.core_type = #tpu.core_type<sc_vector_subcore>, window_params = [{transform_indices = #map}, {transform_indices = #map1}, {transform_indices = #map1}]} {
    %mul3A = arith.constant 2 : i32
    %mul3A_0 = arith.muli %arg1, %mul3A : i32
    %add3A = arith.addi %mul3A_0, %arg0 : i32
    %mul3A_1 = arith.constant 25600 : i32
    %mul3A_2 = arith.muli %add3A, %mul3A_1 : i32
    "tpu.region"() ({
      %run_scoped3A = tpu.sem_alloc : memref<!tpu.dma_semaphore, #tpu.memory_space<semaphore_mem>>
      %dma_start3A_357 = tpu.memref_slice %arg2[%mul3A_2] : memref<819200xi32, #tpu.memory_space<hbm>> -> memref<25600xi32, #tpu.memory_space<hbm>>
      %dma_start3A_358 = tpu.memref_slice %arg2[%mul3A_2] : memref<819200xi32, #tpu.memory_space<hbm>> -> memref<25600xi32, #tpu.memory_space<hbm>>
      tpu.enqueue_dma source(%dma_start3A_358 : memref<25600xi32, #tpu.memory_space<hbm>>) target(%arg5 : memref<25600xi32, #tpu.memory_space<vmem>>) target_semaphore(%run_scoped3A : memref<!tpu.dma_semaphore, #tpu.memory_space<semaphore_mem>>)
      %dma_wait3A_359 = tpu.memref_slice %arg2[%mul3A_2] : memref<819200xi32, #tpu.memory_space<hbm>> -> memref<25600xi32, #tpu.memory_space<hbm>>
      %dma_wait3A_360 = tpu.memref_slice %arg2[%mul3A_2] : memref<819200xi32, #tpu.memory_space<hbm>> -> memref<25600xi32, #tpu.memory_space<hbm>>
      tpu.wait_dma2 semaphore(%run_scoped3A : memref<!tpu.dma_semaphore, #tpu.memory_space<semaphore_mem>>) src(%dma_wait3A_360 : memref<25600xi32, #tpu.memory_space<hbm>>) dst(%arg5 : memref<25600xi32, #tpu.memory_space<vmem>>)
      tpu.yield
    }) : () -> ()
    %dma_start3A = arith.constant 0 : i32
    %dma_start3A_3 = tpu.memref_slice %arg5[%dma_start3A] : memref<25600xi32, #tpu.memory_space<vmem>> -> memref<128xi32, #tpu.memory_space<vmem>>
    %dma_start3A_4 = arith.constant 0 : i32
    %dma_start3A_5 = arith.constant 0 : i32
    %dma_start3A_6 = tpu.memref_slice %arg3[%dma_start3A_4, %dma_start3A_5] : memref<100004x128xf32, #tpu.memory_space<hbm>> -> memref<100004x128xf32, #tpu.memory_space<hbm>>
    tpu.enqueue_indirect_dma source(%dma_start3A_6 : memref<100004x128xf32, #tpu.memory_space<hbm>>) target(%arg6 : memref<128x128xf32, #tpu.memory_space<vmem>>) offsets(%dma_start3A_3 : memref<128xi32, #tpu.memory_space<vmem>>) semaphore(%arg11 : memref<!tpu.dma_semaphore, #tpu.memory_space<semaphore_mem>>)
    %dma_start3A_7 = arith.constant 128 : i32
    %dma_start3A_8 = tpu.memref_slice %arg5[%dma_start3A_7] : memref<25600xi32, #tpu.memory_space<vmem>> -> memref<128xi32, #tpu.memory_space<vmem>>
    %dma_start3A_9 = arith.constant 0 : i32
    %dma_start3A_10 = arith.constant 0 : i32
    %dma_start3A_11 = tpu.memref_slice %arg3[%dma_start3A_9, %dma_start3A_10] : memref<100004x128xf32, #tpu.memory_space<hbm>> -> memref<100004x128xf32, #tpu.memory_space<hbm>>
    tpu.enqueue_indirect_dma source(%dma_start3A_11 : memref<100004x128xf32, #tpu.memory_space<hbm>>) target(%arg7 : memref<128x128xf32, #tpu.memory_space<vmem>>) offsets(%dma_start3A_8 : memref<128xi32, #tpu.memory_space<vmem>>) semaphore(%arg12 : memref<!tpu.dma_semaphore, #tpu.memory_space<semaphore_mem>>)
    %dma_start3A_12 = arith.constant 256 : i32
    %dma_start3A_13 = tpu.memref_slice %arg5[%dma_start3A_12] : memref<25600xi32, #tpu.memory_space<vmem>> -> memref<128xi32, #tpu.memory_space<vmem>>
    %dma_start3A_14 = arith.constant 0 : i32
    %dma_start3A_15 = arith.constant 0 : i32
    %dma_start3A_16 = tpu.memref_slice %arg3[%dma_start3A_14, %dma_start3A_15] : memref<100004x128xf32, #tpu.memory_space<hbm>> -> memref<100004x128xf32, #tpu.memory_space<hbm>>
    tpu.enqueue_indirect_dma source(%dma_start3A_16 : memref<100004x128xf32, #tpu.memory_space<hbm>>) target(%arg8 : memref<128x128xf32, #tpu.memory_space<vmem>>) offsets(%dma_start3A_13 : memref<128xi32, #tpu.memory_space<vmem>>) semaphore(%arg13 : memref<!tpu.dma_semaphore, #tpu.memory_space<semaphore_mem>>)
    %dma_wait3A = arith.constant 0 : i32
    %dma_wait3A_17 = tpu.memref_slice %arg5[%dma_wait3A] : memref<25600xi32, #tpu.memory_space<vmem>> -> memref<128xi32, #tpu.memory_space<vmem>>
    %dma_wait3A_18 = arith.constant 0 : i32
    %dma_wait3A_19 = arith.constant 0 : i32
    %dma_wait3A_20 = tpu.memref_slice %arg3[%dma_wait3A_18, %dma_wait3A_19] : memref<100004x128xf32, #tpu.memory_space<hbm>> -> memref<100004x128xf32, #tpu.memory_space<hbm>>
    tpu.wait_indirect_dma semaphore(%arg11 : memref<!tpu.dma_semaphore, #tpu.memory_space<semaphore_mem>>) src(%dma_wait3A_20 : memref<100004x128xf32, #tpu.memory_space<hbm>>) dst(%arg6 : memref<128x128xf32, #tpu.memory_space<vmem>>)
    %dma_start3A_21 = arith.constant 0 : i32
    %dma_start3A_22 = arith.constant 0 : i32
    %dma_start3A_23 = arith.constant 0 : i32
    %dma_start3A_24 = tpu.memref_slice %arg10[%arg1, %dma_start3A_21, %dma_start3A_22, %dma_start3A_23] : memref<16x2x128x128xf32, #tpu.memory_space<vmem_shared>> -> memref<1x1x128x128xf32, #tpu.memory_space<vmem_shared>>
    %dma_start3A_25 = tpu.memref_squeeze %dma_start3A_24 : memref<1x1x128x128xf32, #tpu.memory_space<vmem_shared>> -> memref<128x128xf32, #tpu.memory_space<vmem_shared>>
    %dma_start3A_26 = arith.constant 0 : i32
    %dma_start3A_27 = arith.constant 0 : i32
    %dma_start3A_28 = tpu.memref_slice %arg10[%arg1, %dma_start3A_21, %dma_start3A_26, %dma_start3A_27] : memref<16x2x128x128xf32, #tpu.memory_space<vmem_shared>> -> memref<1x1x128x128xf32, #tpu.memory_space<vmem_shared>>
    %dma_start3A_29 = tpu.memref_squeeze %dma_start3A_28 : memref<1x1x128x128xf32, #tpu.memory_space<vmem_shared>> -> memref<128x128xf32, #tpu.memory_space<vmem_shared>>
    tpu.enqueue_dma source(%arg6 : memref<128x128xf32, #tpu.memory_space<vmem>>) target(%dma_start3A_29 : memref<128x128xf32, #tpu.memory_space<vmem_shared>>) target_semaphore(%arg15 : memref<!tpu.dma_semaphore, #tpu.memory_space<semaphore_mem>>)
    %dma_start3A_30 = arith.constant 384 : i32
    %dma_start3A_31 = tpu.memref_slice %arg5[%dma_start3A_30] : memref<25600xi32, #tpu.memory_space<vmem>> -> memref<128xi32, #tpu.memory_space<vmem>>
    %dma_start3A_32 = arith.constant 0 : i32
    %dma_start3A_33 = arith.constant 0 : i32
    %dma_start3A_34 = tpu.memref_slice %arg3[%dma_start3A_32, %dma_start3A_33] : memref<100004x128xf32, #tpu.memory_space<hbm>> -> memref<100004x128xf32, #tpu.memory_space<hbm>>
    tpu.enqueue_indirect_dma source(%dma_start3A_34 : memref<100004x128xf32, #tpu.memory_space<hbm>>) target(%arg9 : memref<128x128xf32, #tpu.memory_space<vmem>>) offsets(%dma_start3A_31 : memref<128xi32, #tpu.memory_space<vmem>>) semaphore(%arg14 : memref<!tpu.dma_semaphore, #tpu.memory_space<semaphore_mem>>)
    %dma_wait3A_35 = arith.constant 0 : i32
    %dma_wait3A_36 = tpu.memref_slice %arg5[%dma_wait3A_35] : memref<25600xi32, #tpu.memory_space<vmem>> -> memref<128xi32, #tpu.memory_space<vmem>>
    %dma_wait3A_37 = arith.constant 0 : i32
    %dma_wait3A_38 = arith.constant 0 : i32
    %dma_wait3A_39 = tpu.memref_slice %arg3[%dma_wait3A_37, %dma_wait3A_38] : memref<100004x128xf32, #tpu.memory_space<hbm>> -> memref<100004x128xf32, #tpu.memory_space<hbm>>
    tpu.wait_indirect_dma semaphore(%arg12 : memref<!tpu.dma_semaphore, #tpu.memory_space<semaphore_mem>>) src(%dma_wait3A_39 : memref<100004x128xf32, #tpu.memory_space<hbm>>) dst(%arg7 : memref<128x128xf32, #tpu.memory_space<vmem>>)
    %dma_start3A_40 = arith.constant 1 : i32
    %dma_start3A_41 = arith.constant 0 : i32
    %dma_start3A_42 = arith.constant 0 : i32
    %dma_start3A_43 = tpu.memref_slice %arg10[%arg1, %dma_start3A_40, %dma_start3A_41, %dma_start3A_42] : memref<16x2x128x128xf32, #tpu.memory_space<vmem_shared>> -> memref<1x1x128x128xf32, #tpu.memory_space<vmem_shared>>
    %dma_start3A_44 = tpu.memref_squeeze %dma_start3A_43 : memref<1x1x128x128xf32, #tpu.memory_space<vmem_shared>> -> memref<128x128xf32, #tpu.memory_space<vmem_shared>>
    %dma_start3A_45 = arith.constant 0 : i32
    %dma_start3A_46 = arith.constant 0 : i32
    %dma_start3A_47 = tpu.memref_slice %arg10[%arg1, %dma_start3A_40, %dma_start3A_45, %dma_start3A_46] : memref<16x2x128x128xf32, #tpu.memory_space<vmem_shared>> -> memref<1x1x128x128xf32, #tpu.memory_space<vmem_shared>>
    %dma_start3A_48 = tpu.memref_squeeze %dma_start3A_47 : memref<1x1x128x128xf32, #tpu.memory_space<vmem_shared>> -> memref<128x128xf32, #tpu.memory_space<vmem_shared>>
    tpu.enqueue_dma source(%arg7 : memref<128x128xf32, #tpu.memory_space<vmem>>) target(%dma_start3A_48 : memref<128x128xf32, #tpu.memory_space<vmem_shared>>) target_semaphore(%arg16 : memref<!tpu.dma_semaphore, #tpu.memory_space<semaphore_mem>>)
    %dma_wait3A_49 = arith.constant 0 : i32
    %dma_wait3A_50 = arith.constant 0 : i32
    %dma_wait3A_51 = arith.constant 0 : i32
    %dma_wait3A_52 = tpu.memref_slice %arg10[%arg1, %dma_wait3A_49, %dma_wait3A_50, %dma_wait3A_51] : memref<16x2x128x128xf32, #tpu.memory_space<vmem_shared>> -> memref<1x1x128x128xf32, #tpu.memory_space<vmem_shared>>
    %dma_wait3A_53 = tpu.memref_squeeze %dma_wait3A_52 : memref<1x1x128x128xf32, #tpu.memory_space<vmem_shared>> -> memref<128x128xf32, #tpu.memory_space<vmem_shared>>
    %dma_wait3A_54 = arith.constant 0 : i32
    %dma_wait3A_55 = arith.constant 0 : i32
    %dma_wait3A_56 = tpu.memref_slice %arg10[%arg1, %dma_wait3A_49, %dma_wait3A_54, %dma_wait3A_55] : memref<16x2x128x128xf32, #tpu.memory_space<vmem_shared>> -> memref<1x1x128x128xf32, #tpu.memory_space<vmem_shared>>
    %dma_wait3A_57 = tpu.memref_squeeze %dma_wait3A_56 : memref<1x1x128x128xf32, #tpu.memory_space<vmem_shared>> -> memref<128x128xf32, #tpu.memory_space<vmem_shared>>
    tpu.wait_dma2 semaphore(%arg15 : memref<!tpu.dma_semaphore, #tpu.memory_space<semaphore_mem>>) src(%arg6 : memref<128x128xf32, #tpu.memory_space<vmem>>) dst(%dma_wait3A_57 : memref<128x128xf32, #tpu.memory_space<vmem_shared>>)
    %add3A_58 = arith.constant 0 : i32
    %add3A_59 = arith.addi %mul3A_2, %add3A_58 : i32
    %dma_start3A_60 = arith.constant 0 : i32
    %dma_start3A_61 = arith.constant 0 : i32
    %dma_start3A_62 = tpu.memref_slice %arg4[%add3A_59, %dma_start3A_61] : memref<819200x128xf32, #tpu.memory_space<hbm>> -> memref<128x128xf32, #tpu.memory_space<hbm>>
    %dma_start3A_63 = arith.constant 0 : i32
    %dma_start3A_64 = arith.constant 0 : i32
    %dma_start3A_65 = tpu.memref_slice %arg10[%arg1, %dma_start3A_60, %dma_start3A_63, %dma_start3A_64] : memref<16x2x128x128xf32, #tpu.memory_space<vmem_shared>> -> memref<1x1x128x128xf32, #tpu.memory_space<vmem_shared>>
    %dma_start3A_66 = tpu.memref_squeeze %dma_start3A_65 : memref<1x1x128x128xf32, #tpu.memory_space<vmem_shared>> -> memref<128x128xf32, #tpu.memory_space<vmem_shared>>
    tpu.enqueue_dma source(%dma_start3A_66 : memref<128x128xf32, #tpu.memory_space<vmem_shared>>) target(%dma_start3A_62 : memref<128x128xf32, #tpu.memory_space<hbm>>) target_semaphore(%arg19 : memref<!tpu.dma_semaphore, #tpu.memory_space<semaphore_mem>>)
    %dma_start3A_67 = arith.constant 512 : i32
    %dma_start3A_68 = tpu.memref_slice %arg5[%dma_start3A_67] : memref<25600xi32, #tpu.memory_space<vmem>> -> memref<128xi32, #tpu.memory_space<vmem>>
    %dma_start3A_69 = arith.constant 0 : i32
    %dma_start3A_70 = arith.constant 0 : i32
    %dma_start3A_71 = tpu.memref_slice %arg3[%dma_start3A_69, %dma_start3A_70] : memref<100004x128xf32, #tpu.memory_space<hbm>> -> memref<100004x128xf32, #tpu.memory_space<hbm>>
    tpu.enqueue_indirect_dma source(%dma_start3A_71 : memref<100004x128xf32, #tpu.memory_space<hbm>>) target(%arg6 : memref<128x128xf32, #tpu.memory_space<vmem>>) offsets(%dma_start3A_68 : memref<128xi32, #tpu.memory_space<vmem>>) semaphore(%arg11 : memref<!tpu.dma_semaphore, #tpu.memory_space<semaphore_mem>>)
    %scan3A = arith.constant 0 : i32
    %scan3A_72 = arith.constant 48 : i32
    %scan3A_73 = arith.addi %scan3A, %scan3A_72 : i32
    %scan3A_74 = arith.constant 1 : i32
    scf.for %scan3A_357 = %scan3A to %scan3A_73 step %scan3A_74  : i32 {
      %mul3A_358 = arith.constant 4 : i32
      %mul3A_359 = arith.muli %scan3A_357, %mul3A_358 : i32
      %add3A_360 = arith.constant 2 : i32
      %add3A_361 = arith.addi %add3A_360, %mul3A_359 : i32
      %add3A_362 = arith.constant 0 : i32
      %add3A_363 = arith.addi %add3A_361, %add3A_362 : i32
      %dma_wait3A_364 = arith.constant 0 : i32
      %dma_wait3A_365 = tpu.memref_slice %arg5[%dma_wait3A_364] : memref<25600xi32, #tpu.memory_space<vmem>> -> memref<128xi32, #tpu.memory_space<vmem>>
      %dma_wait3A_366 = arith.constant 0 : i32
      %dma_wait3A_367 = arith.constant 0 : i32
      %dma_wait3A_368 = tpu.memref_slice %arg3[%dma_wait3A_366, %dma_wait3A_367] : memref<100004x128xf32, #tpu.memory_space<hbm>> -> memref<100004x128xf32, #tpu.memory_space<hbm>>
      tpu.wait_indirect_dma semaphore(%arg13 : memref<!tpu.dma_semaphore, #tpu.memory_space<semaphore_mem>>) src(%dma_wait3A_368 : memref<100004x128xf32, #tpu.memory_space<hbm>>) dst(%arg8 : memref<128x128xf32, #tpu.memory_space<vmem>>)
      %dma_wait3A_369 = arith.constant 0 : i32
      %dma_wait3A_370 = arith.constant 0 : i32
      %dma_wait3A_371 = tpu.memref_slice %arg4[%mul3A_2, %dma_wait3A_370] : memref<819200x128xf32, #tpu.memory_space<hbm>> -> memref<128x128xf32, #tpu.memory_space<hbm>>
      %dma_wait3A_372 = arith.constant 0 : i32
      %dma_wait3A_373 = arith.constant 0 : i32
      %dma_wait3A_374 = tpu.memref_slice %arg10[%arg1, %dma_wait3A_369, %dma_wait3A_372, %dma_wait3A_373] : memref<16x2x128x128xf32, #tpu.memory_space<vmem_shared>> -> memref<1x1x128x128xf32, #tpu.memory_space<vmem_shared>>
      %dma_wait3A_375 = tpu.memref_squeeze %dma_wait3A_374 : memref<1x1x128x128xf32, #tpu.memory_space<vmem_shared>> -> memref<128x128xf32, #tpu.memory_space<vmem_shared>>
      tpu.wait_dma2 semaphore(%arg19 : memref<!tpu.dma_semaphore, #tpu.memory_space<semaphore_mem>>) src(%dma_wait3A_375 : memref<128x128xf32, #tpu.memory_space<vmem_shared>>) dst(%dma_wait3A_371 : memref<128x128xf32, #tpu.memory_space<hbm>>)
      %dma_start3A_376 = arith.constant 0 : i32
      %dma_start3A_377 = arith.constant 0 : i32
      %dma_start3A_378 = arith.constant 0 : i32
      %dma_start3A_379 = tpu.memref_slice %arg10[%arg1, %dma_start3A_376, %dma_start3A_377, %dma_start3A_378] : memref<16x2x128x128xf32, #tpu.memory_space<vmem_shared>> -> memref<1x1x128x128xf32, #tpu.memory_space<vmem_shared>>
      %dma_start3A_380 = tpu.memref_squeeze %dma_start3A_379 : memref<1x1x128x128xf32, #tpu.memory_space<vmem_shared>> -> memref<128x128xf32, #tpu.memory_space<vmem_shared>>
      %dma_start3A_381 = arith.constant 0 : i32
      %dma_start3A_382 = arith.constant 0 : i32
      %dma_start3A_383 = tpu.memref_slice %arg10[%arg1, %dma_start3A_376, %dma_start3A_381, %dma_start3A_382] : memref<16x2x128x128xf32, #tpu.memory_space<vmem_shared>> -> memref<1x1x128x128xf32, #tpu.memory_space<vmem_shared>>
      %dma_start3A_384 = tpu.memref_squeeze %dma_start3A_383 : memref<1x1x128x128xf32, #tpu.memory_space<vmem_shared>> -> memref<128x128xf32, #tpu.memory_space<vmem_shared>>
      tpu.enqueue_dma source(%arg8 : memref<128x128xf32, #tpu.memory_space<vmem>>) target(%dma_start3A_384 : memref<128x128xf32, #tpu.memory_space<vmem_shared>>) target_semaphore(%arg17 : memref<!tpu.dma_semaphore, #tpu.memory_space<semaphore_mem>>)
      %dma_wait3A_385 = arith.constant 1 : i32
      %dma_wait3A_386 = arith.constant 0 : i32
      %dma_wait3A_387 = arith.constant 0 : i32
      %dma_wait3A_388 = tpu.memref_slice %arg10[%arg1, %dma_wait3A_385, %dma_wait3A_386, %dma_wait3A_387] : memref<16x2x128x128xf32, #tpu.memory_space<vmem_shared>> -> memref<1x1x128x128xf32, #tpu.memory_space<vmem_shared>>
      %dma_wait3A_389 = tpu.memref_squeeze %dma_wait3A_388 : memref<1x1x128x128xf32, #tpu.memory_space<vmem_shared>> -> memref<128x128xf32, #tpu.memory_space<vmem_shared>>
      %dma_wait3A_390 = arith.constant 0 : i32
      %dma_wait3A_391 = arith.constant 0 : i32
      %dma_wait3A_392 = tpu.memref_slice %arg10[%arg1, %dma_wait3A_385, %dma_wait3A_390, %dma_wait3A_391] : memref<16x2x128x128xf32, #tpu.memory_space<vmem_shared>> -> memref<1x1x128x128xf32, #tpu.memory_space<vmem_shared>>
      %dma_wait3A_393 = tpu.memref_squeeze %dma_wait3A_392 : memref<1x1x128x128xf32, #tpu.memory_space<vmem_shared>> -> memref<128x128xf32, #tpu.memory_space<vmem_shared>>
      tpu.wait_dma2 semaphore(%arg16 : memref<!tpu.dma_semaphore, #tpu.memory_space<semaphore_mem>>) src(%arg7 : memref<128x128xf32, #tpu.memory_space<vmem>>) dst(%dma_wait3A_393 : memref<128x128xf32, #tpu.memory_space<vmem_shared>>)
      %sub3A = arith.constant 1 : i32
      %sub3A_394 = arith.subi %add3A_363, %sub3A : i32
      %mul3A_395 = arith.constant 128 : i32
      %mul3A_396 = arith.muli %sub3A_394, %mul3A_395 : i32
      %add3A_397 = arith.addi %mul3A_2, %mul3A_396 : i32
      %dma_start3A_398 = arith.constant 1 : i32
      %dma_start3A_399 = arith.constant 0 : i32
      %dma_start3A_400 = tpu.memref_slice %arg4[%add3A_397, %dma_start3A_399] : memref<819200x128xf32, #tpu.memory_space<hbm>> -> memref<128x128xf32, #tpu.memory_space<hbm>>
      %dma_start3A_401 = arith.constant 0 : i32
      %dma_start3A_402 = arith.constant 0 : i32
      %dma_start3A_403 = tpu.memref_slice %arg10[%arg1, %dma_start3A_398, %dma_start3A_401, %dma_start3A_402] : memref<16x2x128x128xf32, #tpu.memory_space<vmem_shared>> -> memref<1x1x128x128xf32, #tpu.memory_space<vmem_shared>>
      %dma_start3A_404 = tpu.memref_squeeze %dma_start3A_403 : memref<1x1x128x128xf32, #tpu.memory_space<vmem_shared>> -> memref<128x128xf32, #tpu.memory_space<vmem_shared>>
      tpu.enqueue_dma source(%dma_start3A_404 : memref<128x128xf32, #tpu.memory_space<vmem_shared>>) target(%dma_start3A_400 : memref<128x128xf32, #tpu.memory_space<hbm>>) target_semaphore(%arg20 : memref<!tpu.dma_semaphore, #tpu.memory_space<semaphore_mem>>)
      %add3A_405 = arith.constant 3 : i32
      %add3A_406 = arith.addi %add3A_363, %add3A_405 : i32
      %mul3A_407 = arith.constant 128 : i32
      %mul3A_408 = arith.muli %add3A_406, %mul3A_407 : i32
      %dma_start3A_409 = tpu.memref_slice %arg5[%mul3A_408] : memref<25600xi32, #tpu.memory_space<vmem>> -> memref<128xi32, #tpu.memory_space<vmem>>
      %dma_start3A_410 = arith.constant 0 : i32
      %dma_start3A_411 = arith.constant 0 : i32
      %dma_start3A_412 = tpu.memref_slice %arg3[%dma_start3A_410, %dma_start3A_411] : memref<100004x128xf32, #tpu.memory_space<hbm>> -> memref<100004x128xf32, #tpu.memory_space<hbm>>
      tpu.enqueue_indirect_dma source(%dma_start3A_412 : memref<100004x128xf32, #tpu.memory_space<hbm>>) target(%arg7 : memref<128x128xf32, #tpu.memory_space<vmem>>) offsets(%dma_start3A_409 : memref<128xi32, #tpu.memory_space<vmem>>) semaphore(%arg12 : memref<!tpu.dma_semaphore, #tpu.memory_space<semaphore_mem>>)
      %add3A_413 = arith.constant 1 : i32
      %add3A_414 = arith.addi %add3A_361, %add3A_413 : i32
      %dma_wait3A_415 = arith.constant 0 : i32
      %dma_wait3A_416 = tpu.memref_slice %arg5[%dma_wait3A_415] : memref<25600xi32, #tpu.memory_space<vmem>> -> memref<128xi32, #tpu.memory_space<vmem>>
      %dma_wait3A_417 = arith.constant 0 : i32
      %dma_wait3A_418 = arith.constant 0 : i32
      %dma_wait3A_419 = tpu.memref_slice %arg3[%dma_wait3A_417, %dma_wait3A_418] : memref<100004x128xf32, #tpu.memory_space<hbm>> -> memref<100004x128xf32, #tpu.memory_space<hbm>>
      tpu.wait_indirect_dma semaphore(%arg14 : memref<!tpu.dma_semaphore, #tpu.memory_space<semaphore_mem>>) src(%dma_wait3A_419 : memref<100004x128xf32, #tpu.memory_space<hbm>>) dst(%arg9 : memref<128x128xf32, #tpu.memory_space<vmem>>)
      %dma_wait3A_420 = arith.constant 1 : i32
      %dma_wait3A_421 = arith.constant 0 : i32
      %dma_wait3A_422 = tpu.memref_slice %arg4[%mul3A_2, %dma_wait3A_421] : memref<819200x128xf32, #tpu.memory_space<hbm>> -> memref<128x128xf32, #tpu.memory_space<hbm>>
      %dma_wait3A_423 = arith.constant 0 : i32
      %dma_wait3A_424 = arith.constant 0 : i32
      %dma_wait3A_425 = tpu.memref_slice %arg10[%arg1, %dma_wait3A_420, %dma_wait3A_423, %dma_wait3A_424] : memref<16x2x128x128xf32, #tpu.memory_space<vmem_shared>> -> memref<1x1x128x128xf32, #tpu.memory_space<vmem_shared>>
      %dma_wait3A_426 = tpu.memref_squeeze %dma_wait3A_425 : memref<1x1x128x128xf32, #tpu.memory_space<vmem_shared>> -> memref<128x128xf32, #tpu.memory_space<vmem_shared>>
      tpu.wait_dma2 semaphore(%arg20 : memref<!tpu.dma_semaphore, #tpu.memory_space<semaphore_mem>>) src(%dma_wait3A_426 : memref<128x128xf32, #tpu.memory_space<vmem_shared>>) dst(%dma_wait3A_422 : memref<128x128xf32, #tpu.memory_space<hbm>>)
      %dma_start3A_427 = arith.constant 1 : i32
      %dma_start3A_428 = arith.constant 0 : i32
      %dma_start3A_429 = arith.constant 0 : i32
      %dma_start3A_430 = tpu.memref_slice %arg10[%arg1, %dma_start3A_427, %dma_start3A_428, %dma_start3A_429] : memref<16x2x128x128xf32, #tpu.memory_space<vmem_shared>> -> memref<1x1x128x128xf32, #tpu.memory_space<vmem_shared>>
      %dma_start3A_431 = tpu.memref_squeeze %dma_start3A_430 : memref<1x1x128x128xf32, #tpu.memory_space<vmem_shared>> -> memref<128x128xf32, #tpu.memory_space<vmem_shared>>
      %dma_start3A_432 = arith.constant 0 : i32
      %dma_start3A_433 = arith.constant 0 : i32
      %dma_start3A_434 = tpu.memref_slice %arg10[%arg1, %dma_start3A_427, %dma_start3A_432, %dma_start3A_433] : memref<16x2x128x128xf32, #tpu.memory_space<vmem_shared>> -> memref<1x1x128x128xf32, #tpu.memory_space<vmem_shared>>
      %dma_start3A_435 = tpu.memref_squeeze %dma_start3A_434 : memref<1x1x128x128xf32, #tpu.memory_space<vmem_shared>> -> memref<128x128xf32, #tpu.memory_space<vmem_shared>>
      tpu.enqueue_dma source(%arg9 : memref<128x128xf32, #tpu.memory_space<vmem>>) target(%dma_start3A_435 : memref<128x128xf32, #tpu.memory_space<vmem_shared>>) target_semaphore(%arg18 : memref<!tpu.dma_semaphore, #tpu.memory_space<semaphore_mem>>)
      %dma_wait3A_436 = arith.constant 0 : i32
      %dma_wait3A_437 = arith.constant 0 : i32
      %dma_wait3A_438 = arith.constant 0 : i32
      %dma_wait3A_439 = tpu.memref_slice %arg10[%arg1, %dma_wait3A_436, %dma_wait3A_437, %dma_wait3A_438] : memref<16x2x128x128xf32, #tpu.memory_space<vmem_shared>> -> memref<1x1x128x128xf32, #tpu.memory_space<vmem_shared>>
      %dma_wait3A_440 = tpu.memref_squeeze %dma_wait3A_439 : memref<1x1x128x128xf32, #tpu.memory_space<vmem_shared>> -> memref<128x128xf32, #tpu.memory_space<vmem_shared>>
      %dma_wait3A_441 = arith.constant 0 : i32
      %dma_wait3A_442 = arith.constant 0 : i32
      %dma_wait3A_443 = tpu.memref_slice %arg10[%arg1, %dma_wait3A_436, %dma_wait3A_441, %dma_wait3A_442] : memref<16x2x128x128xf32, #tpu.memory_space<vmem_shared>> -> memref<1x1x128x128xf32, #tpu.memory_space<vmem_shared>>
      %dma_wait3A_444 = tpu.memref_squeeze %dma_wait3A_443 : memref<1x1x128x128xf32, #tpu.memory_space<vmem_shared>> -> memref<128x128xf32, #tpu.memory_space<vmem_shared>>
      tpu.wait_dma2 semaphore(%arg17 : memref<!tpu.dma_semaphore, #tpu.memory_space<semaphore_mem>>) src(%arg8 : memref<128x128xf32, #tpu.memory_space<vmem>>) dst(%dma_wait3A_444 : memref<128x128xf32, #tpu.memory_space<vmem_shared>>)
      %sub3A_445 = arith.constant 1 : i32
      %sub3A_446 = arith.subi %add3A_414, %sub3A_445 : i32
      %mul3A_447 = arith.constant 128 : i32
      %mul3A_448 = arith.muli %sub3A_446, %mul3A_447 : i32
      %add3A_449 = arith.addi %mul3A_2, %mul3A_448 : i32
      %dma_start3A_450 = arith.constant 0 : i32
      %dma_start3A_451 = arith.constant 0 : i32
      %dma_start3A_452 = tpu.memref_slice %arg4[%add3A_449, %dma_start3A_451] : memref<819200x128xf32, #tpu.memory_space<hbm>> -> memref<128x128xf32, #tpu.memory_space<hbm>>
      %dma_start3A_453 = arith.constant 0 : i32
      %dma_start3A_454 = arith.constant 0 : i32
      %dma_start3A_455 = tpu.memref_slice %arg10[%arg1, %dma_start3A_450, %dma_start3A_453, %dma_start3A_454] : memref<16x2x128x128xf32, #tpu.memory_space<vmem_shared>> -> memref<1x1x128x128xf32, #tpu.memory_space<vmem_shared>>
      %dma_start3A_456 = tpu.memref_squeeze %dma_start3A_455 : memref<1x1x128x128xf32, #tpu.memory_space<vmem_shared>> -> memref<128x128xf32, #tpu.memory_space<vmem_shared>>
      tpu.enqueue_dma source(%dma_start3A_456 : memref<128x128xf32, #tpu.memory_space<vmem_shared>>) target(%dma_start3A_452 : memref<128x128xf32, #tpu.memory_space<hbm>>) target_semaphore(%arg19 : memref<!tpu.dma_semaphore, #tpu.memory_space<semaphore_mem>>)
      %add3A_457 = arith.constant 3 : i32
      %add3A_458 = arith.addi %add3A_414, %add3A_457 : i32
      %mul3A_459 = arith.constant 128 : i32
      %mul3A_460 = arith.muli %add3A_458, %mul3A_459 : i32
      %dma_start3A_461 = tpu.memref_slice %arg5[%mul3A_460] : memref<25600xi32, #tpu.memory_space<vmem>> -> memref<128xi32, #tpu.memory_space<vmem>>
      %dma_start3A_462 = arith.constant 0 : i32
      %dma_start3A_463 = arith.constant 0 : i32
      %dma_start3A_464 = tpu.memref_slice %arg3[%dma_start3A_462, %dma_start3A_463] : memref<100004x128xf32, #tpu.memory_space<hbm>> -> memref<100004x128xf32, #tpu.memory_space<hbm>>
      tpu.enqueue_indirect_dma source(%dma_start3A_464 : memref<100004x128xf32, #tpu.memory_space<hbm>>) target(%arg8 : memref<128x128xf32, #tpu.memory_space<vmem>>) offsets(%dma_start3A_461 : memref<128xi32, #tpu.memory_space<vmem>>) semaphore(%arg13 : memref<!tpu.dma_semaphore, #tpu.memory_space<semaphore_mem>>)
      %add3A_465 = arith.constant 2 : i32
      %add3A_466 = arith.addi %add3A_361, %add3A_465 : i32
      %dma_wait3A_467 = arith.constant 0 : i32
      %dma_wait3A_468 = tpu.memref_slice %arg5[%dma_wait3A_467] : memref<25600xi32, #tpu.memory_space<vmem>> -> memref<128xi32, #tpu.memory_space<vmem>>
      %dma_wait3A_469 = arith.constant 0 : i32
      %dma_wait3A_470 = arith.constant 0 : i32
      %dma_wait3A_471 = tpu.memref_slice %arg3[%dma_wait3A_469, %dma_wait3A_470] : memref<100004x128xf32, #tpu.memory_space<hbm>> -> memref<100004x128xf32, #tpu.memory_space<hbm>>
      tpu.wait_indirect_dma semaphore(%arg11 : memref<!tpu.dma_semaphore, #tpu.memory_space<semaphore_mem>>) src(%dma_wait3A_471 : memref<100004x128xf32, #tpu.memory_space<hbm>>) dst(%arg6 : memref<128x128xf32, #tpu.memory_space<vmem>>)
      %dma_wait3A_472 = arith.constant 0 : i32
      %dma_wait3A_473 = arith.constant 0 : i32
      %dma_wait3A_474 = tpu.memref_slice %arg4[%mul3A_2, %dma_wait3A_473] : memref<819200x128xf32, #tpu.memory_space<hbm>> -> memref<128x128xf32, #tpu.memory_space<hbm>>
      %dma_wait3A_475 = arith.constant 0 : i32
      %dma_wait3A_476 = arith.constant 0 : i32
      %dma_wait3A_477 = tpu.memref_slice %arg10[%arg1, %dma_wait3A_472, %dma_wait3A_475, %dma_wait3A_476] : memref<16x2x128x128xf32, #tpu.memory_space<vmem_shared>> -> memref<1x1x128x128xf32, #tpu.memory_space<vmem_shared>>
      %dma_wait3A_478 = tpu.memref_squeeze %dma_wait3A_477 : memref<1x1x128x128xf32, #tpu.memory_space<vmem_shared>> -> memref<128x128xf32, #tpu.memory_space<vmem_shared>>
      tpu.wait_dma2 semaphore(%arg19 : memref<!tpu.dma_semaphore, #tpu.memory_space<semaphore_mem>>) src(%dma_wait3A_478 : memref<128x128xf32, #tpu.memory_space<vmem_shared>>) dst(%dma_wait3A_474 : memref<128x128xf32, #tpu.memory_space<hbm>>)
      %dma_start3A_479 = arith.constant 0 : i32
      %dma_start3A_480 = arith.constant 0 : i32
      %dma_start3A_481 = arith.constant 0 : i32
      %dma_start3A_482 = tpu.memref_slice %arg10[%arg1, %dma_start3A_479, %dma_start3A_480, %dma_start3A_481] : memref<16x2x128x128xf32, #tpu.memory_space<vmem_shared>> -> memref<1x1x128x128xf32, #tpu.memory_space<vmem_shared>>
      %dma_start3A_483 = tpu.memref_squeeze %dma_start3A_482 : memref<1x1x128x128xf32, #tpu.memory_space<vmem_shared>> -> memref<128x128xf32, #tpu.memory_space<vmem_shared>>
      %dma_start3A_484 = arith.constant 0 : i32
      %dma_start3A_485 = arith.constant 0 : i32
      %dma_start3A_486 = tpu.memref_slice %arg10[%arg1, %dma_start3A_479, %dma_start3A_484, %dma_start3A_485] : memref<16x2x128x128xf32, #tpu.memory_space<vmem_shared>> -> memref<1x1x128x128xf32, #tpu.memory_space<vmem_shared>>
      %dma_start3A_487 = tpu.memref_squeeze %dma_start3A_486 : memref<1x1x128x128xf32, #tpu.memory_space<vmem_shared>> -> memref<128x128xf32, #tpu.memory_space<vmem_shared>>
      tpu.enqueue_dma source(%arg6 : memref<128x128xf32, #tpu.memory_space<vmem>>) target(%dma_start3A_487 : memref<128x128xf32, #tpu.memory_space<vmem_shared>>) target_semaphore(%arg15 : memref<!tpu.dma_semaphore, #tpu.memory_space<semaphore_mem>>)
      %dma_wait3A_488 = arith.constant 1 : i32
      %dma_wait3A_489 = arith.constant 0 : i32
      %dma_wait3A_490 = arith.constant 0 : i32
      %dma_wait3A_491 = tpu.memref_slice %arg10[%arg1, %dma_wait3A_488, %dma_wait3A_489, %dma_wait3A_490] : memref<16x2x128x128xf32, #tpu.memory_space<vmem_shared>> -> memref<1x1x128x128xf32, #tpu.memory_space<vmem_shared>>
      %dma_wait3A_492 = tpu.memref_squeeze %dma_wait3A_491 : memref<1x1x128x128xf32, #tpu.memory_space<vmem_shared>> -> memref<128x128xf32, #tpu.memory_space<vmem_shared>>
      %dma_wait3A_493 = arith.constant 0 : i32
      %dma_wait3A_494 = arith.constant 0 : i32
      %dma_wait3A_495 = tpu.memref_slice %arg10[%arg1, %dma_wait3A_488, %dma_wait3A_493, %dma_wait3A_494] : memref<16x2x128x128xf32, #tpu.memory_space<vmem_shared>> -> memref<1x1x128x128xf32, #tpu.memory_space<vmem_shared>>
      %dma_wait3A_496 = tpu.memref_squeeze %dma_wait3A_495 : memref<1x1x128x128xf32, #tpu.memory_space<vmem_shared>> -> memref<128x128xf32, #tpu.memory_space<vmem_shared>>
      tpu.wait_dma2 semaphore(%arg18 : memref<!tpu.dma_semaphore, #tpu.memory_space<semaphore_mem>>) src(%arg9 : memref<128x128xf32, #tpu.memory_space<vmem>>) dst(%dma_wait3A_496 : memref<128x128xf32, #tpu.memory_space<vmem_shared>>)
      %sub3A_497 = arith.constant 1 : i32
      %sub3A_498 = arith.subi %add3A_466, %sub3A_497 : i32
      %mul3A_499 = arith.constant 128 : i32
      %mul3A_500 = arith.muli %sub3A_498, %mul3A_499 : i32
      %add3A_501 = arith.addi %mul3A_2, %mul3A_500 : i32
      %dma_start3A_502 = arith.constant 1 : i32
      %dma_start3A_503 = arith.constant 0 : i32
      %dma_start3A_504 = tpu.memref_slice %arg4[%add3A_501, %dma_start3A_503] : memref<819200x128xf32, #tpu.memory_space<hbm>> -> memref<128x128xf32, #tpu.memory_space<hbm>>
      %dma_start3A_505 = arith.constant 0 : i32
      %dma_start3A_506 = arith.constant 0 : i32
      %dma_start3A_507 = tpu.memref_slice %arg10[%arg1, %dma_start3A_502, %dma_start3A_505, %dma_start3A_506] : memref<16x2x128x128xf32, #tpu.memory_space<vmem_shared>> -> memref<1x1x128x128xf32, #tpu.memory_space<vmem_shared>>
      %dma_start3A_508 = tpu.memref_squeeze %dma_start3A_507 : memref<1x1x128x128xf32, #tpu.memory_space<vmem_shared>> -> memref<128x128xf32, #tpu.memory_space<vmem_shared>>
      tpu.enqueue_dma source(%dma_start3A_508 : memref<128x128xf32, #tpu.memory_space<vmem_shared>>) target(%dma_start3A_504 : memref<128x128xf32, #tpu.memory_space<hbm>>) target_semaphore(%arg20 : memref<!tpu.dma_semaphore, #tpu.memory_space<semaphore_mem>>)
      %add3A_509 = arith.constant 3 : i32
      %add3A_510 = arith.addi %add3A_466, %add3A_509 : i32
      %mul3A_511 = arith.constant 128 : i32
      %mul3A_512 = arith.muli %add3A_510, %mul3A_511 : i32
      %dma_start3A_513 = tpu.memref_slice %arg5[%mul3A_512] : memref<25600xi32, #tpu.memory_space<vmem>> -> memref<128xi32, #tpu.memory_space<vmem>>
      %dma_start3A_514 = arith.constant 0 : i32
      %dma_start3A_515 = arith.constant 0 : i32
      %dma_start3A_516 = tpu.memref_slice %arg3[%dma_start3A_514, %dma_start3A_515] : memref<100004x128xf32, #tpu.memory_space<hbm>> -> memref<100004x128xf32, #tpu.memory_space<hbm>>
      tpu.enqueue_indirect_dma source(%dma_start3A_516 : memref<100004x128xf32, #tpu.memory_space<hbm>>) target(%arg9 : memref<128x128xf32, #tpu.memory_space<vmem>>) offsets(%dma_start3A_513 : memref<128xi32, #tpu.memory_space<vmem>>) semaphore(%arg14 : memref<!tpu.dma_semaphore, #tpu.memory_space<semaphore_mem>>)
      %add3A_517 = arith.constant 3 : i32
      %add3A_518 = arith.addi %add3A_361, %add3A_517 : i32
      %dma_wait3A_519 = arith.constant 0 : i32
      %dma_wait3A_520 = tpu.memref_slice %arg5[%dma_wait3A_519] : memref<25600xi32, #tpu.memory_space<vmem>> -> memref<128xi32, #tpu.memory_space<vmem>>
      %dma_wait3A_521 = arith.constant 0 : i32
      %dma_wait3A_522 = arith.constant 0 : i32
      %dma_wait3A_523 = tpu.memref_slice %arg3[%dma_wait3A_521, %dma_wait3A_522] : memref<100004x128xf32, #tpu.memory_space<hbm>> -> memref<100004x128xf32, #tpu.memory_space<hbm>>
      tpu.wait_indirect_dma semaphore(%arg12 : memref<!tpu.dma_semaphore, #tpu.memory_space<semaphore_mem>>) src(%dma_wait3A_523 : memref<100004x128xf32, #tpu.memory_space<hbm>>) dst(%arg7 : memref<128x128xf32, #tpu.memory_space<vmem>>)
      %dma_wait3A_524 = arith.constant 1 : i32
      %dma_wait3A_525 = arith.constant 0 : i32
      %dma_wait3A_526 = tpu.memref_slice %arg4[%mul3A_2, %dma_wait3A_525] : memref<819200x128xf32, #tpu.memory_space<hbm>> -> memref<128x128xf32, #tpu.memory_space<hbm>>
      %dma_wait3A_527 = arith.constant 0 : i32
      %dma_wait3A_528 = arith.constant 0 : i32
      %dma_wait3A_529 = tpu.memref_slice %arg10[%arg1, %dma_wait3A_524, %dma_wait3A_527, %dma_wait3A_528] : memref<16x2x128x128xf32, #tpu.memory_space<vmem_shared>> -> memref<1x1x128x128xf32, #tpu.memory_space<vmem_shared>>
      %dma_wait3A_530 = tpu.memref_squeeze %dma_wait3A_529 : memref<1x1x128x128xf32, #tpu.memory_space<vmem_shared>> -> memref<128x128xf32, #tpu.memory_space<vmem_shared>>
      tpu.wait_dma2 semaphore(%arg20 : memref<!tpu.dma_semaphore, #tpu.memory_space<semaphore_mem>>) src(%dma_wait3A_530 : memref<128x128xf32, #tpu.memory_space<vmem_shared>>) dst(%dma_wait3A_526 : memref<128x128xf32, #tpu.memory_space<hbm>>)
      %dma_start3A_531 = arith.constant 1 : i32
      %dma_start3A_532 = arith.constant 0 : i32
      %dma_start3A_533 = arith.constant 0 : i32
      %dma_start3A_534 = tpu.memref_slice %arg10[%arg1, %dma_start3A_531, %dma_start3A_532, %dma_start3A_533] : memref<16x2x128x128xf32, #tpu.memory_space<vmem_shared>> -> memref<1x1x128x128xf32, #tpu.memory_space<vmem_shared>>
      %dma_start3A_535 = tpu.memref_squeeze %dma_start3A_534 : memref<1x1x128x128xf32, #tpu.memory_space<vmem_shared>> -> memref<128x128xf32, #tpu.memory_space<vmem_shared>>
      %dma_start3A_536 = arith.constant 0 : i32
      %dma_start3A_537 = arith.constant 0 : i32
      %dma_start3A_538 = tpu.memref_slice %arg10[%arg1, %dma_start3A_531, %dma_start3A_536, %dma_start3A_537] : memref<16x2x128x128xf32, #tpu.memory_space<vmem_shared>> -> memref<1x1x128x128xf32, #tpu.memory_space<vmem_shared>>
      %dma_start3A_539 = tpu.memref_squeeze %dma_start3A_538 : memref<1x1x128x128xf32, #tpu.memory_space<vmem_shared>> -> memref<128x128xf32, #tpu.memory_space<vmem_shared>>
      tpu.enqueue_dma source(%arg7 : memref<128x128xf32, #tpu.memory_space<vmem>>) target(%dma_start3A_539 : memref<128x128xf32, #tpu.memory_space<vmem_shared>>) target_semaphore(%arg16 : memref<!tpu.dma_semaphore, #tpu.memory_space<semaphore_mem>>)
      %dma_wait3A_540 = arith.constant 0 : i32
      %dma_wait3A_541 = arith.constant 0 : i32
      %dma_wait3A_542 = arith.constant 0 : i32
      %dma_wait3A_543 = tpu.memref_slice %arg10[%arg1, %dma_wait3A_540, %dma_wait3A_541, %dma_wait3A_542] : memref<16x2x128x128xf32, #tpu.memory_space<vmem_shared>> -> memref<1x1x128x128xf32, #tpu.memory_space<vmem_shared>>
      %dma_wait3A_544 = tpu.memref_squeeze %dma_wait3A_543 : memref<1x1x128x128xf32, #tpu.memory_space<vmem_shared>> -> memref<128x128xf32, #tpu.memory_space<vmem_shared>>
      %dma_wait3A_545 = arith.constant 0 : i32
      %dma_wait3A_546 = arith.constant 0 : i32
      %dma_wait3A_547 = tpu.memref_slice %arg10[%arg1, %dma_wait3A_540, %dma_wait3A_545, %dma_wait3A_546] : memref<16x2x128x128xf32, #tpu.memory_space<vmem_shared>> -> memref<1x1x128x128xf32, #tpu.memory_space<vmem_shared>>
      %dma_wait3A_548 = tpu.memref_squeeze %dma_wait3A_547 : memref<1x1x128x128xf32, #tpu.memory_space<vmem_shared>> -> memref<128x128xf32, #tpu.memory_space<vmem_shared>>
      tpu.wait_dma2 semaphore(%arg15 : memref<!tpu.dma_semaphore, #tpu.memory_space<semaphore_mem>>) src(%arg6 : memref<128x128xf32, #tpu.memory_space<vmem>>) dst(%dma_wait3A_548 : memref<128x128xf32, #tpu.memory_space<vmem_shared>>)
      %sub3A_549 = arith.constant 1 : i32
      %sub3A_550 = arith.subi %add3A_518, %sub3A_549 : i32
      %mul3A_551 = arith.constant 128 : i32
      %mul3A_552 = arith.muli %sub3A_550, %mul3A_551 : i32
      %add3A_553 = arith.addi %mul3A_2, %mul3A_552 : i32
      %dma_start3A_554 = arith.constant 0 : i32
      %dma_start3A_555 = arith.constant 0 : i32
      %dma_start3A_556 = tpu.memref_slice %arg4[%add3A_553, %dma_start3A_555] : memref<819200x128xf32, #tpu.memory_space<hbm>> -> memref<128x128xf32, #tpu.memory_space<hbm>>
      %dma_start3A_557 = arith.constant 0 : i32
      %dma_start3A_558 = arith.constant 0 : i32
      %dma_start3A_559 = tpu.memref_slice %arg10[%arg1, %dma_start3A_554, %dma_start3A_557, %dma_start3A_558] : memref<16x2x128x128xf32, #tpu.memory_space<vmem_shared>> -> memref<1x1x128x128xf32, #tpu.memory_space<vmem_shared>>
      %dma_start3A_560 = tpu.memref_squeeze %dma_start3A_559 : memref<1x1x128x128xf32, #tpu.memory_space<vmem_shared>> -> memref<128x128xf32, #tpu.memory_space<vmem_shared>>
      tpu.enqueue_dma source(%dma_start3A_560 : memref<128x128xf32, #tpu.memory_space<vmem_shared>>) target(%dma_start3A_556 : memref<128x128xf32, #tpu.memory_space<hbm>>) target_semaphore(%arg19 : memref<!tpu.dma_semaphore, #tpu.memory_space<semaphore_mem>>)
      %add3A_561 = arith.constant 3 : i32
      %add3A_562 = arith.addi %add3A_518, %add3A_561 : i32
      %mul3A_563 = arith.constant 128 : i32
      %mul3A_564 = arith.muli %add3A_562, %mul3A_563 : i32
      %dma_start3A_565 = tpu.memref_slice %arg5[%mul3A_564] : memref<25600xi32, #tpu.memory_space<vmem>> -> memref<128xi32, #tpu.memory_space<vmem>>
      %dma_start3A_566 = arith.constant 0 : i32
      %dma_start3A_567 = arith.constant 0 : i32
      %dma_start3A_568 = tpu.memref_slice %arg3[%dma_start3A_566, %dma_start3A_567] : memref<100004x128xf32, #tpu.memory_space<hbm>> -> memref<100004x128xf32, #tpu.memory_space<hbm>>
      tpu.enqueue_indirect_dma source(%dma_start3A_568 : memref<100004x128xf32, #tpu.memory_space<hbm>>) target(%arg6 : memref<128x128xf32, #tpu.memory_space<vmem>>) offsets(%dma_start3A_565 : memref<128xi32, #tpu.memory_space<vmem>>) semaphore(%arg11 : memref<!tpu.dma_semaphore, #tpu.memory_space<semaphore_mem>>)
    }
    %scan3A_75 = arith.constant 48 : i32
    %dma_wait3A_76 = arith.constant 0 : i32
    %dma_wait3A_77 = tpu.memref_slice %arg5[%dma_wait3A_76] : memref<25600xi32, #tpu.memory_space<vmem>> -> memref<128xi32, #tpu.memory_space<vmem>>
    %dma_wait3A_78 = arith.constant 0 : i32
    %dma_wait3A_79 = arith.constant 0 : i32
    %dma_wait3A_80 = tpu.memref_slice %arg3[%dma_wait3A_78, %dma_wait3A_79] : memref<100004x128xf32, #tpu.memory_space<hbm>> -> memref<100004x128xf32, #tpu.memory_space<hbm>>
    tpu.wait_indirect_dma semaphore(%arg13 : memref<!tpu.dma_semaphore, #tpu.memory_space<semaphore_mem>>) src(%dma_wait3A_80 : memref<100004x128xf32, #tpu.memory_space<hbm>>) dst(%arg8 : memref<128x128xf32, #tpu.memory_space<vmem>>)
    %dma_wait3A_81 = arith.constant 0 : i32
    %dma_wait3A_82 = arith.constant 0 : i32
    %dma_wait3A_83 = tpu.memref_slice %arg4[%mul3A_2, %dma_wait3A_82] : memref<819200x128xf32, #tpu.memory_space<hbm>> -> memref<128x128xf32, #tpu.memory_space<hbm>>
    %dma_wait3A_84 = arith.constant 0 : i32
    %dma_wait3A_85 = arith.constant 0 : i32
    %dma_wait3A_86 = tpu.memref_slice %arg10[%arg1, %dma_wait3A_81, %dma_wait3A_84, %dma_wait3A_85] : memref<16x2x128x128xf32, #tpu.memory_space<vmem_shared>> -> memref<1x1x128x128xf32, #tpu.memory_space<vmem_shared>>
    %dma_wait3A_87 = tpu.memref_squeeze %dma_wait3A_86 : memref<1x1x128x128xf32, #tpu.memory_space<vmem_shared>> -> memref<128x128xf32, #tpu.memory_space<vmem_shared>>
    tpu.wait_dma2 semaphore(%arg19 : memref<!tpu.dma_semaphore, #tpu.memory_space<semaphore_mem>>) src(%dma_wait3A_87 : memref<128x128xf32, #tpu.memory_space<vmem_shared>>) dst(%dma_wait3A_83 : memref<128x128xf32, #tpu.memory_space<hbm>>)
    %dma_start3A_88 = arith.constant 0 : i32
    %dma_start3A_89 = arith.constant 0 : i32
    %dma_start3A_90 = arith.constant 0 : i32
    %dma_start3A_91 = tpu.memref_slice %arg10[%arg1, %dma_start3A_88, %dma_start3A_89, %dma_start3A_90] : memref<16x2x128x128xf32, #tpu.memory_space<vmem_shared>> -> memref<1x1x128x128xf32, #tpu.memory_space<vmem_shared>>
    %dma_start3A_92 = tpu.memref_squeeze %dma_start3A_91 : memref<1x1x128x128xf32, #tpu.memory_space<vmem_shared>> -> memref<128x128xf32, #tpu.memory_space<vmem_shared>>
    %dma_start3A_93 = arith.constant 0 : i32
    %dma_start3A_94 = arith.constant 0 : i32
    %dma_start3A_95 = tpu.memref_slice %arg10[%arg1, %dma_start3A_88, %dma_start3A_93, %dma_start3A_94] : memref<16x2x128x128xf32, #tpu.memory_space<vmem_shared>> -> memref<1x1x128x128xf32, #tpu.memory_space<vmem_shared>>
    %dma_start3A_96 = tpu.memref_squeeze %dma_start3A_95 : memref<1x1x128x128xf32, #tpu.memory_space<vmem_shared>> -> memref<128x128xf32, #tpu.memory_space<vmem_shared>>
    tpu.enqueue_dma source(%arg8 : memref<128x128xf32, #tpu.memory_space<vmem>>) target(%dma_start3A_96 : memref<128x128xf32, #tpu.memory_space<vmem_shared>>) target_semaphore(%arg17 : memref<!tpu.dma_semaphore, #tpu.memory_space<semaphore_mem>>)
    %dma_wait3A_97 = arith.constant 1 : i32
    %dma_wait3A_98 = arith.constant 0 : i32
    %dma_wait3A_99 = arith.constant 0 : i32
    %dma_wait3A_100 = tpu.memref_slice %arg10[%arg1, %dma_wait3A_97, %dma_wait3A_98, %dma_wait3A_99] : memref<16x2x128x128xf32, #tpu.memory_space<vmem_shared>> -> memref<1x1x128x128xf32, #tpu.memory_space<vmem_shared>>
    %dma_wait3A_101 = tpu.memref_squeeze %dma_wait3A_100 : memref<1x1x128x128xf32, #tpu.memory_space<vmem_shared>> -> memref<128x128xf32, #tpu.memory_space<vmem_shared>>
    %dma_wait3A_102 = arith.constant 0 : i32
    %dma_wait3A_103 = arith.constant 0 : i32
    %dma_wait3A_104 = tpu.memref_slice %arg10[%arg1, %dma_wait3A_97, %dma_wait3A_102, %dma_wait3A_103] : memref<16x2x128x128xf32, #tpu.memory_space<vmem_shared>> -> memref<1x1x128x128xf32, #tpu.memory_space<vmem_shared>>
    %dma_wait3A_105 = tpu.memref_squeeze %dma_wait3A_104 : memref<1x1x128x128xf32, #tpu.memory_space<vmem_shared>> -> memref<128x128xf32, #tpu.memory_space<vmem_shared>>
    tpu.wait_dma2 semaphore(%arg16 : memref<!tpu.dma_semaphore, #tpu.memory_space<semaphore_mem>>) src(%arg7 : memref<128x128xf32, #tpu.memory_space<vmem>>) dst(%dma_wait3A_105 : memref<128x128xf32, #tpu.memory_space<vmem_shared>>)
    %add3A_106 = arith.constant 24704 : i32
    %add3A_107 = arith.addi %mul3A_2, %add3A_106 : i32
    %dma_start3A_108 = arith.constant 1 : i32
    %dma_start3A_109 = arith.constant 0 : i32
    %dma_start3A_110 = tpu.memref_slice %arg4[%add3A_107, %dma_start3A_109] : memref<819200x128xf32, #tpu.memory_space<hbm>> -> memref<128x128xf32, #tpu.memory_space<hbm>>
    %dma_start3A_111 = arith.constant 0 : i32
    %dma_start3A_112 = arith.constant 0 : i32
    %dma_start3A_113 = tpu.memref_slice %arg10[%arg1, %dma_start3A_108, %dma_start3A_111, %dma_start3A_112] : memref<16x2x128x128xf32, #tpu.memory_space<vmem_shared>> -> memref<1x1x128x128xf32, #tpu.memory_space<vmem_shared>>
    %dma_start3A_114 = tpu.memref_squeeze %dma_start3A_113 : memref<1x1x128x128xf32, #tpu.memory_space<vmem_shared>> -> memref<128x128xf32, #tpu.memory_space<vmem_shared>>
    tpu.enqueue_dma source(%dma_start3A_114 : memref<128x128xf32, #tpu.memory_space<vmem_shared>>) target(%dma_start3A_110 : memref<128x128xf32, #tpu.memory_space<hbm>>) target_semaphore(%arg20 : memref<!tpu.dma_semaphore, #tpu.memory_space<semaphore_mem>>)
    %dma_start3A_115 = arith.constant 25216 : i32
    %dma_start3A_116 = tpu.memref_slice %arg5[%dma_start3A_115] : memref<25600xi32, #tpu.memory_space<vmem>> -> memref<128xi32, #tpu.memory_space<vmem>>
    %dma_start3A_117 = arith.constant 0 : i32
    %dma_start3A_118 = arith.constant 0 : i32
    %dma_start3A_119 = tpu.memref_slice %arg3[%dma_start3A_117, %dma_start3A_118] : memref<100004x128xf32, #tpu.memory_space<hbm>> -> memref<100004x128xf32, #tpu.memory_space<hbm>>
    tpu.enqueue_indirect_dma source(%dma_start3A_119 : memref<100004x128xf32, #tpu.memory_space<hbm>>) target(%arg7 : memref<128x128xf32, #tpu.memory_space<vmem>>) offsets(%dma_start3A_116 : memref<128xi32, #tpu.memory_space<vmem>>) semaphore(%arg12 : memref<!tpu.dma_semaphore, #tpu.memory_space<semaphore_mem>>)
    %dma_wait3A_120 = arith.constant 0 : i32
    %dma_wait3A_121 = tpu.memref_slice %arg5[%dma_wait3A_120] : memref<25600xi32, #tpu.memory_space<vmem>> -> memref<128xi32, #tpu.memory_space<vmem>>
    %dma_wait3A_122 = arith.constant 0 : i32
    %dma_wait3A_123 = arith.constant 0 : i32
    %dma_wait3A_124 = tpu.memref_slice %arg3[%dma_wait3A_122, %dma_wait3A_123] : memref<100004x128xf32, #tpu.memory_space<hbm>> -> memref<100004x128xf32, #tpu.memory_space<hbm>>
    tpu.wait_indirect_dma semaphore(%arg14 : memref<!tpu.dma_semaphore, #tpu.memory_space<semaphore_mem>>) src(%dma_wait3A_124 : memref<100004x128xf32, #tpu.memory_space<hbm>>) dst(%arg9 : memref<128x128xf32, #tpu.memory_space<vmem>>)
    %dma_wait3A_125 = arith.constant 1 : i32
    %dma_wait3A_126 = arith.constant 0 : i32
    %dma_wait3A_127 = tpu.memref_slice %arg4[%mul3A_2, %dma_wait3A_126] : memref<819200x128xf32, #tpu.memory_space<hbm>> -> memref<128x128xf32, #tpu.memory_space<hbm>>
    %dma_wait3A_128 = arith.constant 0 : i32
    %dma_wait3A_129 = arith.constant 0 : i32
    %dma_wait3A_130 = tpu.memref_slice %arg10[%arg1, %dma_wait3A_125, %dma_wait3A_128, %dma_wait3A_129] : memref<16x2x128x128xf32, #tpu.memory_space<vmem_shared>> -> memref<1x1x128x128xf32, #tpu.memory_space<vmem_shared>>
    %dma_wait3A_131 = tpu.memref_squeeze %dma_wait3A_130 : memref<1x1x128x128xf32, #tpu.memory_space<vmem_shared>> -> memref<128x128xf32, #tpu.memory_space<vmem_shared>>
    tpu.wait_dma2 semaphore(%arg20 : memref<!tpu.dma_semaphore, #tpu.memory_space<semaphore_mem>>) src(%dma_wait3A_131 : memref<128x128xf32, #tpu.memory_space<vmem_shared>>) dst(%dma_wait3A_127 : memref<128x128xf32, #tpu.memory_space<hbm>>)
    %dma_start3A_132 = arith.constant 1 : i32
    %dma_start3A_133 = arith.constant 0 : i32
    %dma_start3A_134 = arith.constant 0 : i32
    %dma_start3A_135 = tpu.memref_slice %arg10[%arg1, %dma_start3A_132, %dma_start3A_133, %dma_start3A_134] : memref<16x2x128x128xf32, #tpu.memory_space<vmem_shared>> -> memref<1x1x128x128xf32, #tpu.memory_space<vmem_shared>>
    %dma_start3A_136 = tpu.memref_squeeze %dma_start3A_135 : memref<1x1x128x128xf32, #tpu.memory_space<vmem_shared>> -> memref<128x128xf32, #tpu.memory_space<vmem_shared>>
    %dma_start3A_137 = arith.constant 0 : i32
    %dma_start3A_138 = arith.constant 0 : i32
    %dma_start3A_139 = tpu.memref_slice %arg10[%arg1, %dma_start3A_132, %dma_start3A_137, %dma_start3A_138] : memref<16x2x128x128xf32, #tpu.memory_space<vmem_shared>> -> memref<1x1x128x128xf32, #tpu.memory_space<vmem_shared>>
    %dma_start3A_140 = tpu.memref_squeeze %dma_start3A_139 : memref<1x1x128x128xf32, #tpu.memory_space<vmem_shared>> -> memref<128x128xf32, #tpu.memory_space<vmem_shared>>
    tpu.enqueue_dma source(%arg9 : memref<128x128xf32, #tpu.memory_space<vmem>>) target(%dma_start3A_140 : memref<128x128xf32, #tpu.memory_space<vmem_shared>>) target_semaphore(%arg18 : memref<!tpu.dma_semaphore, #tpu.memory_space<semaphore_mem>>)
    %dma_wait3A_141 = arith.constant 0 : i32
    %dma_wait3A_142 = arith.constant 0 : i32
    %dma_wait3A_143 = arith.constant 0 : i32
    %dma_wait3A_144 = tpu.memref_slice %arg10[%arg1, %dma_wait3A_141, %dma_wait3A_142, %dma_wait3A_143] : memref<16x2x128x128xf32, #tpu.memory_space<vmem_shared>> -> memref<1x1x128x128xf32, #tpu.memory_space<vmem_shared>>
    %dma_wait3A_145 = tpu.memref_squeeze %dma_wait3A_144 : memref<1x1x128x128xf32, #tpu.memory_space<vmem_shared>> -> memref<128x128xf32, #tpu.memory_space<vmem_shared>>
    %dma_wait3A_146 = arith.constant 0 : i32
    %dma_wait3A_147 = arith.constant 0 : i32
    %dma_wait3A_148 = tpu.memref_slice %arg10[%arg1, %dma_wait3A_141, %dma_wait3A_146, %dma_wait3A_147] : memref<16x2x128x128xf32, #tpu.memory_space<vmem_shared>> -> memref<1x1x128x128xf32, #tpu.memory_space<vmem_shared>>
    %dma_wait3A_149 = tpu.memref_squeeze %dma_wait3A_148 : memref<1x1x128x128xf32, #tpu.memory_space<vmem_shared>> -> memref<128x128xf32, #tpu.memory_space<vmem_shared>>
    tpu.wait_dma2 semaphore(%arg17 : memref<!tpu.dma_semaphore, #tpu.memory_space<semaphore_mem>>) src(%arg8 : memref<128x128xf32, #tpu.memory_space<vmem>>) dst(%dma_wait3A_149 : memref<128x128xf32, #tpu.memory_space<vmem_shared>>)
    %add3A_150 = arith.constant 24832 : i32
    %add3A_151 = arith.addi %mul3A_2, %add3A_150 : i32
    %dma_start3A_152 = arith.constant 0 : i32
    %dma_start3A_153 = arith.constant 0 : i32
    %dma_start3A_154 = tpu.memref_slice %arg4[%add3A_151, %dma_start3A_153] : memref<819200x128xf32, #tpu.memory_space<hbm>> -> memref<128x128xf32, #tpu.memory_space<hbm>>
    %dma_start3A_155 = arith.constant 0 : i32
    %dma_start3A_156 = arith.constant 0 : i32
    %dma_start3A_157 = tpu.memref_slice %arg10[%arg1, %dma_start3A_152, %dma_start3A_155, %dma_start3A_156] : memref<16x2x128x128xf32, #tpu.memory_space<vmem_shared>> -> memref<1x1x128x128xf32, #tpu.memory_space<vmem_shared>>
    %dma_start3A_158 = tpu.memref_squeeze %dma_start3A_157 : memref<1x1x128x128xf32, #tpu.memory_space<vmem_shared>> -> memref<128x128xf32, #tpu.memory_space<vmem_shared>>
    tpu.enqueue_dma source(%dma_start3A_158 : memref<128x128xf32, #tpu.memory_space<vmem_shared>>) target(%dma_start3A_154 : memref<128x128xf32, #tpu.memory_space<hbm>>) target_semaphore(%arg19 : memref<!tpu.dma_semaphore, #tpu.memory_space<semaphore_mem>>)
    %dma_start3A_159 = arith.constant 25344 : i32
    %dma_start3A_160 = tpu.memref_slice %arg5[%dma_start3A_159] : memref<25600xi32, #tpu.memory_space<vmem>> -> memref<128xi32, #tpu.memory_space<vmem>>
    %dma_start3A_161 = arith.constant 0 : i32
    %dma_start3A_162 = arith.constant 0 : i32
    %dma_start3A_163 = tpu.memref_slice %arg3[%dma_start3A_161, %dma_start3A_162] : memref<100004x128xf32, #tpu.memory_space<hbm>> -> memref<100004x128xf32, #tpu.memory_space<hbm>>
    tpu.enqueue_indirect_dma source(%dma_start3A_163 : memref<100004x128xf32, #tpu.memory_space<hbm>>) target(%arg8 : memref<128x128xf32, #tpu.memory_space<vmem>>) offsets(%dma_start3A_160 : memref<128xi32, #tpu.memory_space<vmem>>) semaphore(%arg13 : memref<!tpu.dma_semaphore, #tpu.memory_space<semaphore_mem>>)
    %dma_wait3A_164 = arith.constant 0 : i32
    %dma_wait3A_165 = tpu.memref_slice %arg5[%dma_wait3A_164] : memref<25600xi32, #tpu.memory_space<vmem>> -> memref<128xi32, #tpu.memory_space<vmem>>
    %dma_wait3A_166 = arith.constant 0 : i32
    %dma_wait3A_167 = arith.constant 0 : i32
    %dma_wait3A_168 = tpu.memref_slice %arg3[%dma_wait3A_166, %dma_wait3A_167] : memref<100004x128xf32, #tpu.memory_space<hbm>> -> memref<100004x128xf32, #tpu.memory_space<hbm>>
    tpu.wait_indirect_dma semaphore(%arg11 : memref<!tpu.dma_semaphore, #tpu.memory_space<semaphore_mem>>) src(%dma_wait3A_168 : memref<100004x128xf32, #tpu.memory_space<hbm>>) dst(%arg6 : memref<128x128xf32, #tpu.memory_space<vmem>>)
    %dma_wait3A_169 = arith.constant 0 : i32
    %dma_wait3A_170 = arith.constant 0 : i32
    %dma_wait3A_171 = tpu.memref_slice %arg4[%mul3A_2, %dma_wait3A_170] : memref<819200x128xf32, #tpu.memory_space<hbm>> -> memref<128x128xf32, #tpu.memory_space<hbm>>
    %dma_wait3A_172 = arith.constant 0 : i32
    %dma_wait3A_173 = arith.constant 0 : i32
    %dma_wait3A_174 = tpu.memref_slice %arg10[%arg1, %dma_wait3A_169, %dma_wait3A_172, %dma_wait3A_173] : memref<16x2x128x128xf32, #tpu.memory_space<vmem_shared>> -> memref<1x1x128x128xf32, #tpu.memory_space<vmem_shared>>
    %dma_wait3A_175 = tpu.memref_squeeze %dma_wait3A_174 : memref<1x1x128x128xf32, #tpu.memory_space<vmem_shared>> -> memref<128x128xf32, #tpu.memory_space<vmem_shared>>
    tpu.wait_dma2 semaphore(%arg19 : memref<!tpu.dma_semaphore, #tpu.memory_space<semaphore_mem>>) src(%dma_wait3A_175 : memref<128x128xf32, #tpu.memory_space<vmem_shared>>) dst(%dma_wait3A_171 : memref<128x128xf32, #tpu.memory_space<hbm>>)
    %dma_start3A_176 = arith.constant 0 : i32
    %dma_start3A_177 = arith.constant 0 : i32
    %dma_start3A_178 = arith.constant 0 : i32
    %dma_start3A_179 = tpu.memref_slice %arg10[%arg1, %dma_start3A_176, %dma_start3A_177, %dma_start3A_178] : memref<16x2x128x128xf32, #tpu.memory_space<vmem_shared>> -> memref<1x1x128x128xf32, #tpu.memory_space<vmem_shared>>
    %dma_start3A_180 = tpu.memref_squeeze %dma_start3A_179 : memref<1x1x128x128xf32, #tpu.memory_space<vmem_shared>> -> memref<128x128xf32, #tpu.memory_space<vmem_shared>>
    %dma_start3A_181 = arith.constant 0 : i32
    %dma_start3A_182 = arith.constant 0 : i32
    %dma_start3A_183 = tpu.memref_slice %arg10[%arg1, %dma_start3A_176, %dma_start3A_181, %dma_start3A_182] : memref<16x2x128x128xf32, #tpu.memory_space<vmem_shared>> -> memref<1x1x128x128xf32, #tpu.memory_space<vmem_shared>>
    %dma_start3A_184 = tpu.memref_squeeze %dma_start3A_183 : memref<1x1x128x128xf32, #tpu.memory_space<vmem_shared>> -> memref<128x128xf32, #tpu.memory_space<vmem_shared>>
    tpu.enqueue_dma source(%arg6 : memref<128x128xf32, #tpu.memory_space<vmem>>) target(%dma_start3A_184 : memref<128x128xf32, #tpu.memory_space<vmem_shared>>) target_semaphore(%arg15 : memref<!tpu.dma_semaphore, #tpu.memory_space<semaphore_mem>>)
    %dma_wait3A_185 = arith.constant 1 : i32
    %dma_wait3A_186 = arith.constant 0 : i32
    %dma_wait3A_187 = arith.constant 0 : i32
    %dma_wait3A_188 = tpu.memref_slice %arg10[%arg1, %dma_wait3A_185, %dma_wait3A_186, %dma_wait3A_187] : memref<16x2x128x128xf32, #tpu.memory_space<vmem_shared>> -> memref<1x1x128x128xf32, #tpu.memory_space<vmem_shared>>
    %dma_wait3A_189 = tpu.memref_squeeze %dma_wait3A_188 : memref<1x1x128x128xf32, #tpu.memory_space<vmem_shared>> -> memref<128x128xf32, #tpu.memory_space<vmem_shared>>
    %dma_wait3A_190 = arith.constant 0 : i32
    %dma_wait3A_191 = arith.constant 0 : i32
    %dma_wait3A_192 = tpu.memref_slice %arg10[%arg1, %dma_wait3A_185, %dma_wait3A_190, %dma_wait3A_191] : memref<16x2x128x128xf32, #tpu.memory_space<vmem_shared>> -> memref<1x1x128x128xf32, #tpu.memory_space<vmem_shared>>
    %dma_wait3A_193 = tpu.memref_squeeze %dma_wait3A_192 : memref<1x1x128x128xf32, #tpu.memory_space<vmem_shared>> -> memref<128x128xf32, #tpu.memory_space<vmem_shared>>
    tpu.wait_dma2 semaphore(%arg18 : memref<!tpu.dma_semaphore, #tpu.memory_space<semaphore_mem>>) src(%arg9 : memref<128x128xf32, #tpu.memory_space<vmem>>) dst(%dma_wait3A_193 : memref<128x128xf32, #tpu.memory_space<vmem_shared>>)
    %add3A_194 = arith.constant 24960 : i32
    %add3A_195 = arith.addi %mul3A_2, %add3A_194 : i32
    %dma_start3A_196 = arith.constant 1 : i32
    %dma_start3A_197 = arith.constant 0 : i32
    %dma_start3A_198 = tpu.memref_slice %arg4[%add3A_195, %dma_start3A_197] : memref<819200x128xf32, #tpu.memory_space<hbm>> -> memref<128x128xf32, #tpu.memory_space<hbm>>
    %dma_start3A_199 = arith.constant 0 : i32
    %dma_start3A_200 = arith.constant 0 : i32
    %dma_start3A_201 = tpu.memref_slice %arg10[%arg1, %dma_start3A_196, %dma_start3A_199, %dma_start3A_200] : memref<16x2x128x128xf32, #tpu.memory_space<vmem_shared>> -> memref<1x1x128x128xf32, #tpu.memory_space<vmem_shared>>
    %dma_start3A_202 = tpu.memref_squeeze %dma_start3A_201 : memref<1x1x128x128xf32, #tpu.memory_space<vmem_shared>> -> memref<128x128xf32, #tpu.memory_space<vmem_shared>>
    tpu.enqueue_dma source(%dma_start3A_202 : memref<128x128xf32, #tpu.memory_space<vmem_shared>>) target(%dma_start3A_198 : memref<128x128xf32, #tpu.memory_space<hbm>>) target_semaphore(%arg20 : memref<!tpu.dma_semaphore, #tpu.memory_space<semaphore_mem>>)
    %dma_start3A_203 = arith.constant 25472 : i32
    %dma_start3A_204 = tpu.memref_slice %arg5[%dma_start3A_203] : memref<25600xi32, #tpu.memory_space<vmem>> -> memref<128xi32, #tpu.memory_space<vmem>>
    %dma_start3A_205 = arith.constant 0 : i32
    %dma_start3A_206 = arith.constant 0 : i32
    %dma_start3A_207 = tpu.memref_slice %arg3[%dma_start3A_205, %dma_start3A_206] : memref<100004x128xf32, #tpu.memory_space<hbm>> -> memref<100004x128xf32, #tpu.memory_space<hbm>>
    tpu.enqueue_indirect_dma source(%dma_start3A_207 : memref<100004x128xf32, #tpu.memory_space<hbm>>) target(%arg9 : memref<128x128xf32, #tpu.memory_space<vmem>>) offsets(%dma_start3A_204 : memref<128xi32, #tpu.memory_space<vmem>>) semaphore(%arg14 : memref<!tpu.dma_semaphore, #tpu.memory_space<semaphore_mem>>)
    %dma_wait3A_208 = arith.constant 0 : i32
    %dma_wait3A_209 = tpu.memref_slice %arg5[%dma_wait3A_208] : memref<25600xi32, #tpu.memory_space<vmem>> -> memref<128xi32, #tpu.memory_space<vmem>>
    %dma_wait3A_210 = arith.constant 0 : i32
    %dma_wait3A_211 = arith.constant 0 : i32
    %dma_wait3A_212 = tpu.memref_slice %arg3[%dma_wait3A_210, %dma_wait3A_211] : memref<100004x128xf32, #tpu.memory_space<hbm>> -> memref<100004x128xf32, #tpu.memory_space<hbm>>
    tpu.wait_indirect_dma semaphore(%arg12 : memref<!tpu.dma_semaphore, #tpu.memory_space<semaphore_mem>>) src(%dma_wait3A_212 : memref<100004x128xf32, #tpu.memory_space<hbm>>) dst(%arg7 : memref<128x128xf32, #tpu.memory_space<vmem>>)
    %dma_wait3A_213 = arith.constant 1 : i32
    %dma_wait3A_214 = arith.constant 0 : i32
    %dma_wait3A_215 = tpu.memref_slice %arg4[%mul3A_2, %dma_wait3A_214] : memref<819200x128xf32, #tpu.memory_space<hbm>> -> memref<128x128xf32, #tpu.memory_space<hbm>>
    %dma_wait3A_216 = arith.constant 0 : i32
    %dma_wait3A_217 = arith.constant 0 : i32
    %dma_wait3A_218 = tpu.memref_slice %arg10[%arg1, %dma_wait3A_213, %dma_wait3A_216, %dma_wait3A_217] : memref<16x2x128x128xf32, #tpu.memory_space<vmem_shared>> -> memref<1x1x128x128xf32, #tpu.memory_space<vmem_shared>>
    %dma_wait3A_219 = tpu.memref_squeeze %dma_wait3A_218 : memref<1x1x128x128xf32, #tpu.memory_space<vmem_shared>> -> memref<128x128xf32, #tpu.memory_space<vmem_shared>>
    tpu.wait_dma2 semaphore(%arg20 : memref<!tpu.dma_semaphore, #tpu.memory_space<semaphore_mem>>) src(%dma_wait3A_219 : memref<128x128xf32, #tpu.memory_space<vmem_shared>>) dst(%dma_wait3A_215 : memref<128x128xf32, #tpu.memory_space<hbm>>)
    %dma_start3A_220 = arith.constant 1 : i32
    %dma_start3A_221 = arith.constant 0 : i32
    %dma_start3A_222 = arith.constant 0 : i32
    %dma_start3A_223 = tpu.memref_slice %arg10[%arg1, %dma_start3A_220, %dma_start3A_221, %dma_start3A_222] : memref<16x2x128x128xf32, #tpu.memory_space<vmem_shared>> -> memref<1x1x128x128xf32, #tpu.memory_space<vmem_shared>>
    %dma_start3A_224 = tpu.memref_squeeze %dma_start3A_223 : memref<1x1x128x128xf32, #tpu.memory_space<vmem_shared>> -> memref<128x128xf32, #tpu.memory_space<vmem_shared>>
    %dma_start3A_225 = arith.constant 0 : i32
    %dma_start3A_226 = arith.constant 0 : i32
    %dma_start3A_227 = tpu.memref_slice %arg10[%arg1, %dma_start3A_220, %dma_start3A_225, %dma_start3A_226] : memref<16x2x128x128xf32, #tpu.memory_space<vmem_shared>> -> memref<1x1x128x128xf32, #tpu.memory_space<vmem_shared>>
    %dma_start3A_228 = tpu.memref_squeeze %dma_start3A_227 : memref<1x1x128x128xf32, #tpu.memory_space<vmem_shared>> -> memref<128x128xf32, #tpu.memory_space<vmem_shared>>
    tpu.enqueue_dma source(%arg7 : memref<128x128xf32, #tpu.memory_space<vmem>>) target(%dma_start3A_228 : memref<128x128xf32, #tpu.memory_space<vmem_shared>>) target_semaphore(%arg16 : memref<!tpu.dma_semaphore, #tpu.memory_space<semaphore_mem>>)
    %dma_wait3A_229 = arith.constant 0 : i32
    %dma_wait3A_230 = arith.constant 0 : i32
    %dma_wait3A_231 = arith.constant 0 : i32
    %dma_wait3A_232 = tpu.memref_slice %arg10[%arg1, %dma_wait3A_229, %dma_wait3A_230, %dma_wait3A_231] : memref<16x2x128x128xf32, #tpu.memory_space<vmem_shared>> -> memref<1x1x128x128xf32, #tpu.memory_space<vmem_shared>>
    %dma_wait3A_233 = tpu.memref_squeeze %dma_wait3A_232 : memref<1x1x128x128xf32, #tpu.memory_space<vmem_shared>> -> memref<128x128xf32, #tpu.memory_space<vmem_shared>>
    %dma_wait3A_234 = arith.constant 0 : i32
    %dma_wait3A_235 = arith.constant 0 : i32
    %dma_wait3A_236 = tpu.memref_slice %arg10[%arg1, %dma_wait3A_229, %dma_wait3A_234, %dma_wait3A_235] : memref<16x2x128x128xf32, #tpu.memory_space<vmem_shared>> -> memref<1x1x128x128xf32, #tpu.memory_space<vmem_shared>>
    %dma_wait3A_237 = tpu.memref_squeeze %dma_wait3A_236 : memref<1x1x128x128xf32, #tpu.memory_space<vmem_shared>> -> memref<128x128xf32, #tpu.memory_space<vmem_shared>>
    tpu.wait_dma2 semaphore(%arg15 : memref<!tpu.dma_semaphore, #tpu.memory_space<semaphore_mem>>) src(%arg6 : memref<128x128xf32, #tpu.memory_space<vmem>>) dst(%dma_wait3A_237 : memref<128x128xf32, #tpu.memory_space<vmem_shared>>)
    %add3A_238 = arith.constant 25088 : i32
    %add3A_239 = arith.addi %mul3A_2, %add3A_238 : i32
    %dma_start3A_240 = arith.constant 0 : i32
    %dma_start3A_241 = arith.constant 0 : i32
    %dma_start3A_242 = tpu.memref_slice %arg4[%add3A_239, %dma_start3A_241] : memref<819200x128xf32, #tpu.memory_space<hbm>> -> memref<128x128xf32, #tpu.memory_space<hbm>>
    %dma_start3A_243 = arith.constant 0 : i32
    %dma_start3A_244 = arith.constant 0 : i32
    %dma_start3A_245 = tpu.memref_slice %arg10[%arg1, %dma_start3A_240, %dma_start3A_243, %dma_start3A_244] : memref<16x2x128x128xf32, #tpu.memory_space<vmem_shared>> -> memref<1x1x128x128xf32, #tpu.memory_space<vmem_shared>>
    %dma_start3A_246 = tpu.memref_squeeze %dma_start3A_245 : memref<1x1x128x128xf32, #tpu.memory_space<vmem_shared>> -> memref<128x128xf32, #tpu.memory_space<vmem_shared>>
    tpu.enqueue_dma source(%dma_start3A_246 : memref<128x128xf32, #tpu.memory_space<vmem_shared>>) target(%dma_start3A_242 : memref<128x128xf32, #tpu.memory_space<hbm>>) target_semaphore(%arg19 : memref<!tpu.dma_semaphore, #tpu.memory_space<semaphore_mem>>)
    %dma_wait3A_247 = arith.constant 0 : i32
    %dma_wait3A_248 = tpu.memref_slice %arg5[%dma_wait3A_247] : memref<25600xi32, #tpu.memory_space<vmem>> -> memref<128xi32, #tpu.memory_space<vmem>>
    %dma_wait3A_249 = arith.constant 0 : i32
    %dma_wait3A_250 = arith.constant 0 : i32
    %dma_wait3A_251 = tpu.memref_slice %arg3[%dma_wait3A_249, %dma_wait3A_250] : memref<100004x128xf32, #tpu.memory_space<hbm>> -> memref<100004x128xf32, #tpu.memory_space<hbm>>
    tpu.wait_indirect_dma semaphore(%arg13 : memref<!tpu.dma_semaphore, #tpu.memory_space<semaphore_mem>>) src(%dma_wait3A_251 : memref<100004x128xf32, #tpu.memory_space<hbm>>) dst(%arg8 : memref<128x128xf32, #tpu.memory_space<vmem>>)
    %dma_wait3A_252 = arith.constant 0 : i32
    %dma_wait3A_253 = arith.constant 0 : i32
    %dma_wait3A_254 = tpu.memref_slice %arg4[%mul3A_2, %dma_wait3A_253] : memref<819200x128xf32, #tpu.memory_space<hbm>> -> memref<128x128xf32, #tpu.memory_space<hbm>>
    %dma_wait3A_255 = arith.constant 0 : i32
    %dma_wait3A_256 = arith.constant 0 : i32
    %dma_wait3A_257 = tpu.memref_slice %arg10[%arg1, %dma_wait3A_252, %dma_wait3A_255, %dma_wait3A_256] : memref<16x2x128x128xf32, #tpu.memory_space<vmem_shared>> -> memref<1x1x128x128xf32, #tpu.memory_space<vmem_shared>>
    %dma_wait3A_258 = tpu.memref_squeeze %dma_wait3A_257 : memref<1x1x128x128xf32, #tpu.memory_space<vmem_shared>> -> memref<128x128xf32, #tpu.memory_space<vmem_shared>>
    tpu.wait_dma2 semaphore(%arg19 : memref<!tpu.dma_semaphore, #tpu.memory_space<semaphore_mem>>) src(%dma_wait3A_258 : memref<128x128xf32, #tpu.memory_space<vmem_shared>>) dst(%dma_wait3A_254 : memref<128x128xf32, #tpu.memory_space<hbm>>)
    %dma_start3A_259 = arith.constant 0 : i32
    %dma_start3A_260 = arith.constant 0 : i32
    %dma_start3A_261 = arith.constant 0 : i32
    %dma_start3A_262 = tpu.memref_slice %arg10[%arg1, %dma_start3A_259, %dma_start3A_260, %dma_start3A_261] : memref<16x2x128x128xf32, #tpu.memory_space<vmem_shared>> -> memref<1x1x128x128xf32, #tpu.memory_space<vmem_shared>>
    %dma_start3A_263 = tpu.memref_squeeze %dma_start3A_262 : memref<1x1x128x128xf32, #tpu.memory_space<vmem_shared>> -> memref<128x128xf32, #tpu.memory_space<vmem_shared>>
    %dma_start3A_264 = arith.constant 0 : i32
    %dma_start3A_265 = arith.constant 0 : i32
    %dma_start3A_266 = tpu.memref_slice %arg10[%arg1, %dma_start3A_259, %dma_start3A_264, %dma_start3A_265] : memref<16x2x128x128xf32, #tpu.memory_space<vmem_shared>> -> memref<1x1x128x128xf32, #tpu.memory_space<vmem_shared>>
    %dma_start3A_267 = tpu.memref_squeeze %dma_start3A_266 : memref<1x1x128x128xf32, #tpu.memory_space<vmem_shared>> -> memref<128x128xf32, #tpu.memory_space<vmem_shared>>
    tpu.enqueue_dma source(%arg8 : memref<128x128xf32, #tpu.memory_space<vmem>>) target(%dma_start3A_267 : memref<128x128xf32, #tpu.memory_space<vmem_shared>>) target_semaphore(%arg17 : memref<!tpu.dma_semaphore, #tpu.memory_space<semaphore_mem>>)
    %dma_wait3A_268 = arith.constant 1 : i32
    %dma_wait3A_269 = arith.constant 0 : i32
    %dma_wait3A_270 = arith.constant 0 : i32
    %dma_wait3A_271 = tpu.memref_slice %arg10[%arg1, %dma_wait3A_268, %dma_wait3A_269, %dma_wait3A_270] : memref<16x2x128x128xf32, #tpu.memory_space<vmem_shared>> -> memref<1x1x128x128xf32, #tpu.memory_space<vmem_shared>>
    %dma_wait3A_272 = tpu.memref_squeeze %dma_wait3A_271 : memref<1x1x128x128xf32, #tpu.memory_space<vmem_shared>> -> memref<128x128xf32, #tpu.memory_space<vmem_shared>>
    %dma_wait3A_273 = arith.constant 0 : i32
    %dma_wait3A_274 = arith.constant 0 : i32
    %dma_wait3A_275 = tpu.memref_slice %arg10[%arg1, %dma_wait3A_268, %dma_wait3A_273, %dma_wait3A_274] : memref<16x2x128x128xf32, #tpu.memory_space<vmem_shared>> -> memref<1x1x128x128xf32, #tpu.memory_space<vmem_shared>>
    %dma_wait3A_276 = tpu.memref_squeeze %dma_wait3A_275 : memref<1x1x128x128xf32, #tpu.memory_space<vmem_shared>> -> memref<128x128xf32, #tpu.memory_space<vmem_shared>>
    tpu.wait_dma2 semaphore(%arg16 : memref<!tpu.dma_semaphore, #tpu.memory_space<semaphore_mem>>) src(%arg7 : memref<128x128xf32, #tpu.memory_space<vmem>>) dst(%dma_wait3A_276 : memref<128x128xf32, #tpu.memory_space<vmem_shared>>)
    %add3A_277 = arith.constant 25216 : i32
    %add3A_278 = arith.addi %mul3A_2, %add3A_277 : i32
    %dma_start3A_279 = arith.constant 1 : i32
    %dma_start3A_280 = arith.constant 0 : i32
    %dma_start3A_281 = tpu.memref_slice %arg4[%add3A_278, %dma_start3A_280] : memref<819200x128xf32, #tpu.memory_space<hbm>> -> memref<128x128xf32, #tpu.memory_space<hbm>>
    %dma_start3A_282 = arith.constant 0 : i32
    %dma_start3A_283 = arith.constant 0 : i32
    %dma_start3A_284 = tpu.memref_slice %arg10[%arg1, %dma_start3A_279, %dma_start3A_282, %dma_start3A_283] : memref<16x2x128x128xf32, #tpu.memory_space<vmem_shared>> -> memref<1x1x128x128xf32, #tpu.memory_space<vmem_shared>>
    %dma_start3A_285 = tpu.memref_squeeze %dma_start3A_284 : memref<1x1x128x128xf32, #tpu.memory_space<vmem_shared>> -> memref<128x128xf32, #tpu.memory_space<vmem_shared>>
    tpu.enqueue_dma source(%dma_start3A_285 : memref<128x128xf32, #tpu.memory_space<vmem_shared>>) target(%dma_start3A_281 : memref<128x128xf32, #tpu.memory_space<hbm>>) target_semaphore(%arg20 : memref<!tpu.dma_semaphore, #tpu.memory_space<semaphore_mem>>)
    %dma_wait3A_286 = arith.constant 0 : i32
    %dma_wait3A_287 = tpu.memref_slice %arg5[%dma_wait3A_286] : memref<25600xi32, #tpu.memory_space<vmem>> -> memref<128xi32, #tpu.memory_space<vmem>>
    %dma_wait3A_288 = arith.constant 0 : i32
    %dma_wait3A_289 = arith.constant 0 : i32
    %dma_wait3A_290 = tpu.memref_slice %arg3[%dma_wait3A_288, %dma_wait3A_289] : memref<100004x128xf32, #tpu.memory_space<hbm>> -> memref<100004x128xf32, #tpu.memory_space<hbm>>
    tpu.wait_indirect_dma semaphore(%arg14 : memref<!tpu.dma_semaphore, #tpu.memory_space<semaphore_mem>>) src(%dma_wait3A_290 : memref<100004x128xf32, #tpu.memory_space<hbm>>) dst(%arg9 : memref<128x128xf32, #tpu.memory_space<vmem>>)
    %dma_wait3A_291 = arith.constant 1 : i32
    %dma_wait3A_292 = arith.constant 0 : i32
    %dma_wait3A_293 = tpu.memref_slice %arg4[%mul3A_2, %dma_wait3A_292] : memref<819200x128xf32, #tpu.memory_space<hbm>> -> memref<128x128xf32, #tpu.memory_space<hbm>>
    %dma_wait3A_294 = arith.constant 0 : i32
    %dma_wait3A_295 = arith.constant 0 : i32
    %dma_wait3A_296 = tpu.memref_slice %arg10[%arg1, %dma_wait3A_291, %dma_wait3A_294, %dma_wait3A_295] : memref<16x2x128x128xf32, #tpu.memory_space<vmem_shared>> -> memref<1x1x128x128xf32, #tpu.memory_space<vmem_shared>>
    %dma_wait3A_297 = tpu.memref_squeeze %dma_wait3A_296 : memref<1x1x128x128xf32, #tpu.memory_space<vmem_shared>> -> memref<128x128xf32, #tpu.memory_space<vmem_shared>>
    tpu.wait_dma2 semaphore(%arg20 : memref<!tpu.dma_semaphore, #tpu.memory_space<semaphore_mem>>) src(%dma_wait3A_297 : memref<128x128xf32, #tpu.memory_space<vmem_shared>>) dst(%dma_wait3A_293 : memref<128x128xf32, #tpu.memory_space<hbm>>)
    %dma_start3A_298 = arith.constant 1 : i32
    %dma_start3A_299 = arith.constant 0 : i32
    %dma_start3A_300 = arith.constant 0 : i32
    %dma_start3A_301 = tpu.memref_slice %arg10[%arg1, %dma_start3A_298, %dma_start3A_299, %dma_start3A_300] : memref<16x2x128x128xf32, #tpu.memory_space<vmem_shared>> -> memref<1x1x128x128xf32, #tpu.memory_space<vmem_shared>>
    %dma_start3A_302 = tpu.memref_squeeze %dma_start3A_301 : memref<1x1x128x128xf32, #tpu.memory_space<vmem_shared>> -> memref<128x128xf32, #tpu.memory_space<vmem_shared>>
    %dma_start3A_303 = arith.constant 0 : i32
    %dma_start3A_304 = arith.constant 0 : i32
    %dma_start3A_305 = tpu.memref_slice %arg10[%arg1, %dma_start3A_298, %dma_start3A_303, %dma_start3A_304] : memref<16x2x128x128xf32, #tpu.memory_space<vmem_shared>> -> memref<1x1x128x128xf32, #tpu.memory_space<vmem_shared>>
    %dma_start3A_306 = tpu.memref_squeeze %dma_start3A_305 : memref<1x1x128x128xf32, #tpu.memory_space<vmem_shared>> -> memref<128x128xf32, #tpu.memory_space<vmem_shared>>
    tpu.enqueue_dma source(%arg9 : memref<128x128xf32, #tpu.memory_space<vmem>>) target(%dma_start3A_306 : memref<128x128xf32, #tpu.memory_space<vmem_shared>>) target_semaphore(%arg18 : memref<!tpu.dma_semaphore, #tpu.memory_space<semaphore_mem>>)
    %dma_wait3A_307 = arith.constant 0 : i32
    %dma_wait3A_308 = arith.constant 0 : i32
    %dma_wait3A_309 = arith.constant 0 : i32
    %dma_wait3A_310 = tpu.memref_slice %arg10[%arg1, %dma_wait3A_307, %dma_wait3A_308, %dma_wait3A_309] : memref<16x2x128x128xf32, #tpu.memory_space<vmem_shared>> -> memref<1x1x128x128xf32, #tpu.memory_space<vmem_shared>>
    %dma_wait3A_311 = tpu.memref_squeeze %dma_wait3A_310 : memref<1x1x128x128xf32, #tpu.memory_space<vmem_shared>> -> memref<128x128xf32, #tpu.memory_space<vmem_shared>>
    %dma_wait3A_312 = arith.constant 0 : i32
    %dma_wait3A_313 = arith.constant 0 : i32
    %dma_wait3A_314 = tpu.memref_slice %arg10[%arg1, %dma_wait3A_307, %dma_wait3A_312, %dma_wait3A_313] : memref<16x2x128x128xf32, #tpu.memory_space<vmem_shared>> -> memref<1x1x128x128xf32, #tpu.memory_space<vmem_shared>>
    %dma_wait3A_315 = tpu.memref_squeeze %dma_wait3A_314 : memref<1x1x128x128xf32, #tpu.memory_space<vmem_shared>> -> memref<128x128xf32, #tpu.memory_space<vmem_shared>>
    tpu.wait_dma2 semaphore(%arg17 : memref<!tpu.dma_semaphore, #tpu.memory_space<semaphore_mem>>) src(%arg8 : memref<128x128xf32, #tpu.memory_space<vmem>>) dst(%dma_wait3A_315 : memref<128x128xf32, #tpu.memory_space<vmem_shared>>)
    %add3A_316 = arith.constant 25344 : i32
    %add3A_317 = arith.addi %mul3A_2, %add3A_316 : i32
    %dma_start3A_318 = arith.constant 0 : i32
    %dma_start3A_319 = arith.constant 0 : i32
    %dma_start3A_320 = tpu.memref_slice %arg4[%add3A_317, %dma_start3A_319] : memref<819200x128xf32, #tpu.memory_space<hbm>> -> memref<128x128xf32, #tpu.memory_space<hbm>>
    %dma_start3A_321 = arith.constant 0 : i32
    %dma_start3A_322 = arith.constant 0 : i32
    %dma_start3A_323 = tpu.memref_slice %arg10[%arg1, %dma_start3A_318, %dma_start3A_321, %dma_start3A_322] : memref<16x2x128x128xf32, #tpu.memory_space<vmem_shared>> -> memref<1x1x128x128xf32, #tpu.memory_space<vmem_shared>>
    %dma_start3A_324 = tpu.memref_squeeze %dma_start3A_323 : memref<1x1x128x128xf32, #tpu.memory_space<vmem_shared>> -> memref<128x128xf32, #tpu.memory_space<vmem_shared>>
    tpu.enqueue_dma source(%dma_start3A_324 : memref<128x128xf32, #tpu.memory_space<vmem_shared>>) target(%dma_start3A_320 : memref<128x128xf32, #tpu.memory_space<hbm>>) target_semaphore(%arg19 : memref<!tpu.dma_semaphore, #tpu.memory_space<semaphore_mem>>)
    %dma_wait3A_325 = arith.constant 1 : i32
    %dma_wait3A_326 = arith.constant 0 : i32
    %dma_wait3A_327 = arith.constant 0 : i32
    %dma_wait3A_328 = tpu.memref_slice %arg10[%arg1, %dma_wait3A_325, %dma_wait3A_326, %dma_wait3A_327] : memref<16x2x128x128xf32, #tpu.memory_space<vmem_shared>> -> memref<1x1x128x128xf32, #tpu.memory_space<vmem_shared>>
    %dma_wait3A_329 = tpu.memref_squeeze %dma_wait3A_328 : memref<1x1x128x128xf32, #tpu.memory_space<vmem_shared>> -> memref<128x128xf32, #tpu.memory_space<vmem_shared>>
    %dma_wait3A_330 = arith.constant 0 : i32
    %dma_wait3A_331 = arith.constant 0 : i32
    %dma_wait3A_332 = tpu.memref_slice %arg10[%arg1, %dma_wait3A_325, %dma_wait3A_330, %dma_wait3A_331] : memref<16x2x128x128xf32, #tpu.memory_space<vmem_shared>> -> memref<1x1x128x128xf32, #tpu.memory_space<vmem_shared>>
    %dma_wait3A_333 = tpu.memref_squeeze %dma_wait3A_332 : memref<1x1x128x128xf32, #tpu.memory_space<vmem_shared>> -> memref<128x128xf32, #tpu.memory_space<vmem_shared>>
    tpu.wait_dma2 semaphore(%arg18 : memref<!tpu.dma_semaphore, #tpu.memory_space<semaphore_mem>>) src(%arg9 : memref<128x128xf32, #tpu.memory_space<vmem>>) dst(%dma_wait3A_333 : memref<128x128xf32, #tpu.memory_space<vmem_shared>>)
    %add3A_334 = arith.constant 25472 : i32
    %add3A_335 = arith.addi %mul3A_2, %add3A_334 : i32
    %dma_start3A_336 = arith.constant 1 : i32
    %dma_start3A_337 = arith.constant 0 : i32
    %dma_start3A_338 = tpu.memref_slice %arg4[%add3A_335, %dma_start3A_337] : memref<819200x128xf32, #tpu.memory_space<hbm>> -> memref<128x128xf32, #tpu.memory_space<hbm>>
    %dma_start3A_339 = arith.constant 0 : i32
    %dma_start3A_340 = arith.constant 0 : i32
    %dma_start3A_341 = tpu.memref_slice %arg10[%arg1, %dma_start3A_336, %dma_start3A_339, %dma_start3A_340] : memref<16x2x128x128xf32, #tpu.memory_space<vmem_shared>> -> memref<1x1x128x128xf32, #tpu.memory_space<vmem_shared>>
    %dma_start3A_342 = tpu.memref_squeeze %dma_start3A_341 : memref<1x1x128x128xf32, #tpu.memory_space<vmem_shared>> -> memref<128x128xf32, #tpu.memory_space<vmem_shared>>
    tpu.enqueue_dma source(%dma_start3A_342 : memref<128x128xf32, #tpu.memory_space<vmem_shared>>) target(%dma_start3A_338 : memref<128x128xf32, #tpu.memory_space<hbm>>) target_semaphore(%arg20 : memref<!tpu.dma_semaphore, #tpu.memory_space<semaphore_mem>>)
    %dma_wait3A_343 = arith.constant 0 : i32
    %dma_wait3A_344 = arith.constant 0 : i32
    %dma_wait3A_345 = tpu.memref_slice %arg4[%mul3A_2, %dma_wait3A_344] : memref<819200x128xf32, #tpu.memory_space<hbm>> -> memref<128x128xf32, #tpu.memory_space<hbm>>
    %dma_wait3A_346 = arith.constant 0 : i32
    %dma_wait3A_347 = arith.constant 0 : i32
    %dma_wait3A_348 = tpu.memref_slice %arg10[%arg1, %dma_wait3A_343, %dma_wait3A_346, %dma_wait3A_347] : memref<16x2x128x128xf32, #tpu.memory_space<vmem_shared>> -> memref<1x1x128x128xf32, #tpu.memory_space<vmem_shared>>
    %dma_wait3A_349 = tpu.memref_squeeze %dma_wait3A_348 : memref<1x1x128x128xf32, #tpu.memory_space<vmem_shared>> -> memref<128x128xf32, #tpu.memory_space<vmem_shared>>
    tpu.wait_dma2 semaphore(%arg19 : memref<!tpu.dma_semaphore, #tpu.memory_space<semaphore_mem>>) src(%dma_wait3A_349 : memref<128x128xf32, #tpu.memory_space<vmem_shared>>) dst(%dma_wait3A_345 : memref<128x128xf32, #tpu.memory_space<hbm>>)
    %dma_wait3A_350 = arith.constant 1 : i32
    %dma_wait3A_351 = arith.constant 0 : i32
    %dma_wait3A_352 = tpu.memref_slice %arg4[%mul3A_2, %dma_wait3A_351] : memref<819200x128xf32, #tpu.memory_space<hbm>> -> memref<128x128xf32, #tpu.memory_space<hbm>>
    %dma_wait3A_353 = arith.constant 0 : i32
    %dma_wait3A_354 = arith.constant 0 : i32
    %dma_wait3A_355 = tpu.memref_slice %arg10[%arg1, %dma_wait3A_350, %dma_wait3A_353, %dma_wait3A_354] : memref<16x2x128x128xf32, #tpu.memory_space<vmem_shared>> -> memref<1x1x128x128xf32, #tpu.memory_space<vmem_shared>>
    %dma_wait3A_356 = tpu.memref_squeeze %dma_wait3A_355 : memref<1x1x128x128xf32, #tpu.memory_space<vmem_shared>> -> memref<128x128xf32, #tpu.memory_space<vmem_shared>>
    tpu.wait_dma2 semaphore(%arg20 : memref<!tpu.dma_semaphore, #tpu.memory_space<semaphore_mem>>) src(%dma_wait3A_356 : memref<128x128xf32, #tpu.memory_space<vmem_shared>>) dst(%dma_wait3A_352 : memref<128x128xf32, #tpu.memory_space<hbm>>)
    return
  }
}

</mosaic_0001>

<sc_bundles>
// kernel: kernel.3.cloned.1.call-start
scs
__scs_entry_jumppad:
0x0: {  	(pc) =	sbr.rel $0x88, $3  }
0x1: {  	(tag) =	ssettag $0x0;
	lr =	simm.s32 $0x1  }
0x2: {  	[smem:$0x3F9F] =	sst lr;
	_ =	strace $0xD0000000  }
0x3: {  	_ = 	snop  }
0x4: {  	_ = 	snop  }
0x5: {  	_ = 	snop  }
0x6: {  	_ = 	snop  }
0x7: {  	_ = 	snop  }
__scs_overlays_trampoline_lowered:
0x8: {  	[smem:$0x3FAE] =	sst s0  }
0x9: {  	[smem:$0x3FAF] =	sst s1  }
0xa: {  	[smem:$0x3FB0] =	sst s2  }
0xb: {  	[smem:$0x3FB1] =	sst s3  }
0xc: {  	[smem:$0x3FB2] =	sst s4  }
0xd: {  	[smem:$0x3FB3] =	sst s5  }
0xe: {  	[smem:$0x3FB4] =	sst s6  }
0xf: {  	[smem:$0x3FB5] =	sst s7  }
0x10: {  	[smem:$0x3FB6] =	sst s8  }
0x11: {  	[smem:$0x3FB7] =	sst s9;
	s0 =	simm.s32 @!p0 $0x0  }
0x12: {  	s1 =	sld [smem:$0x3F9D];
	s0 =	simm.s32 @p0 $0x1  }
0x13: {  	[smem:$0x3FB8] =	sst s0;
	s0 =	simm.s32 @!p1 $0x0  }
0x14: {  	s2 =	sld [smem:$0x3F9C];
	s0 =	simm.s32 @p1 $0x1  }
0x15: {  	[smem:$0x3FB9] =	sst s0;
	s0 =	simm.s32 @!p2 $0x0  }
0x16: {  	s3 =	sld [smem:$0x3FDB];
	s0 =	simm.s32 @p2 $0x1  }
0x17: {  	s4 =	simm.s32 $0x1BF5;
	[smem:$0x3FBB] =	sst s0  }
0x18: {  	s0 =	sld [smem:$0x3F9E];
	_ =	swait.ge [sflag:s4], $0x0  }
0x19: {  	s7 =	sld [smem:$0x3F9F]  }
0x1a: {  	s8 =	sadd.s32 $0xFFFFE003, lr  }
0x1b: {  	s9 =	sadd.s32 $0xFFFFFEF7, lr;
	s5 =	simm.s32 $0xFFFFFFFF;
	p2 =	slt.u32 s8, $0xFFFFF086  }
0x1c: {  	p1 =	slt.u32 s9, $0xF7A;
	s5 =	simm.s32 @!p2 $0x0  }
0x1d: {  	s5 =	simm.s32 @p1 $0x1;
	p0 =	seq.s32 s7, s2  }
0x1e: {  	s7 =	smul.u32 @!p0 $0xF7A, s2;
	p2 =	seq.s32 @!p0 s5, $0x0  }
0x1f: {  	s9 =	smul.u32 $0xF7A, s1;
	s8 =	simm.s32 @!p0 $0x1BF5;
	p2 =	por !p2, p0  }
0x20: {  	[sflag:s8] =	ssyncset.s32 @!p0 $0xFFFFF086;
	s6 =	sadd.s32 @!p0 s3, s7;
	s7 =	simm.s32 @!p0 $0x108  }
0x21: {  	s3 =	sadd.s32 s3, s9;
	s6 =	sadd.s32 @!p0 $0x88, s6;
	s7 =	simm.s32 @p2 $0x1082  }
0x22: {  	[simem:s7], [sflag:s8] =	dma.local @!p0 [hbm:s6], $0xF7A  }
0x23: {  	s9 =	sor.u32 $0xD0000000, s2;
	s6 =	simm.s32 $0x108;
	_ =	swait.ge @!p0 [sflag:s8], $0x0  }
0x24: {  	s3 =	sadd.s32 $0x88, s3;
	s6 =	simm.s32 @!p1 $0x1082;
	[sflag:s4] =	ssyncset.s32 $0xFFFFF086  }
0x25: {  	[simem:s6], [sflag:s4] =	dma.local [hbm:s3], $0xF7A  }
0x26: {  	[smem:$0x3F9F] =	sst s1;
	(tag) =	ssettag s2;
	_ =	strace s9  }
0x27: {  	s1 =	sld [smem:$0x3FAF]  }
0x28: {  	s2 =	sld [smem:$0x3FB0]  }
0x29: {  	s4 =	sld [smem:$0x3FB2]  }
0x2a: {  	p0 =	seq.s32 s5, $0x0;
	s5 =	sld [smem:$0x3FB3]  }
0x2b: {  	s6 =	sld [smem:$0x3FB4]  }
0x2c: {  	s7 =	sld [smem:$0x3FB5]  }
0x2d: {  	s3 =	simm.s32 $0x108;
	s8 =	sld [smem:$0x3FB6]  }
0x2e: {  	s3 =	simm.s32 @!p0 $0x1082;
	s9 =	sld [smem:$0x3FB7]  }
0x2f: {  	lr =	sadd.s32 s0, s3;
	s0 =	sld [smem:$0x3FAE]  }
0x30: {  	s3 =	sld [smem:$0x3FB1]  }
0x31: {  	[smem:$0x3FBA] =	sst s10  }
0x32: {  	s10 =	sld [smem:$0x3FB8];
	_ =	sdelay $0x3  }
0x33: {  	p0 =	seq.s32 s10, $0x1;
	s10 =	sld [smem:$0x3FBA];
	_ =	sdelay $0x3  }
0x34: {  	[smem:$0x3FBA] =	sst s10  }
0x35: {  	s10 =	sld [smem:$0x3FB9];
	_ =	sdelay $0x3  }
0x36: {  	p1 =	seq.s32 s10, $0x1;
	s10 =	sld [smem:$0x3FBA];
	_ =	sdelay $0x3  }
0x37: {  	[smem:$0x3FBA] =	sst s10  }
0x38: {  	s10 =	sld [smem:$0x3FBB]  }
0x39: {  	_ = 	snop;
	(pc) =	sbr.ind lr, $3  }
0x3a: {  	_ = 	snop  }
0x3b: {  	_ = 	snop  }
0x3c: {  	p2 =	seq.s32 s10, $0x1;
	s10 =	sld [smem:$0x3FBA]  }
0x3d: {  	_ =	shalt  }
0x3e: {  	_ =	shalt  }
0x3f: {  	_ =	shalt  }
0x40: {  	_ =	shalt  }
0x41: {  	_ =	shalt  }
0x42: {  	_ =	shalt  }
0x43: {  	_ =	shalt  }
0x44: {  	_ =	shalt  }
0x45: {  	_ =	shalt  }
0x46: {  	_ =	shalt  }
0x47: {  	_ =	shalt  }
0x48: {  	_ =	shalt  }
0x49: {  	_ =	shalt  }
0x4a: {  	_ =	shalt  }
0x4b: {  	_ =	shalt  }
0x4c: {  	_ =	shalt  }
0x4d: {  	_ =	shalt  }
0x4e: {  	_ =	shalt  }
0x4f: {  	_ =	shalt  }
0x50: {  	_ =	shalt  }
0x51: {  	_ =	shalt  }
0x52: {  	_ =	shalt  }
0x53: {  	_ =	shalt  }
0x54: {  	_ =	shalt  }
0x55: {  	_ =	shalt  }
0x56: {  	_ =	shalt  }
0x57: {  	_ =	shalt  }
0x58: {  	_ =	shalt  }
0x59: {  	_ =	shalt  }
0x5a: {  	_ =	shalt  }
0x5b: {  	_ =	shalt  }
0x5c: {  	_ =	shalt  }
0x5d: {  	_ =	shalt  }
0x5e: {  	_ =	shalt  }
0x5f: {  	_ =	shalt  }
0x60: {  	_ =	shalt  }
0x61: {  	_ =	shalt  }
0x62: {  	_ =	shalt  }
0x63: {  	_ =	shalt  }
0x64: {  	_ =	shalt  }
0x65: {  	_ =	shalt  }
0x66: {  	_ =	shalt  }
0x67: {  	_ =	shalt  }
0x68: {  	_ =	shalt  }
0x69: {  	_ =	shalt  }
0x6a: {  	_ =	shalt  }
0x6b: {  	_ =	shalt  }
0x6c: {  	_ =	shalt  }
0x6d: {  	_ =	shalt  }
0x6e: {  	_ =	shalt  }
0x6f: {  	_ =	shalt  }
0x70: {  	_ =	shalt  }
0x71: {  	_ =	shalt  }
0x72: {  	_ =	shalt  }
0x73: {  	_ =	shalt  }
0x74: {  	_ =	shalt  }
0x75: {  	_ =	shalt  }
0x76: {  	_ =	shalt  }
0x77: {  	_ =	shalt  }
0x78: {  	_ =	shalt  }
0x79: {  	_ =	shalt  }
0x7a: {  	_ =	shalt  }
0x7b: {  	_ =	shalt  }
0x7c: {  	_ =	shalt  }
0x7d: {  	_ =	shalt  }
0x7e: {  	_ =	shalt  }
0x7f: {  	_ =	shalt  }
0x80: {  	_ =	shalt  }
0x81: {  	_ =	shalt  }
0x82: {  	_ =	shalt  }
0x83: {  	_ =	shalt  }
0x84: {  	_ =	shalt  }
0x85: {  	_ =	shalt  }
0x86: {  	_ =	shalt  }
0x87: {  	_ =	shalt  }
.Lfunc_end0:
.L_simem_size_0:
called_computation_lowered:
.L_overlay_start_0:
0x88: {  	s2 =	sld [smem:$0x3FD9]  }
0x89: {  	s3 =	sld [smem:$0x3FFE];
	_ =	sdelay $0x1  }
0x8a: {  	s1 =	srdreg.scid  }
0x8b: {  	s0 =	sand.u32 $0x1, s1  }
0x8c: {  	s17 =	sshll.u32 s0, $0xA;
	s2 =	sadd.s32 s3, s2  }
0x8d: {  	s2 =	sadd.s32 s2, s17  }
0x8e: {  	[smem:$0x3FC6] =	sst s2  }
0x8f: {  	_ = 	snop  }
0x90: {  	s2 =	sld [smem:$0x3FC8]  }
0x91: {  	s18 =	sld [smem:$0x3FD0];
	(tm) =	ssettm $0x1  }
0x92: {  	s4 =	sld [smem:$0x3FFB];
	_ =	sdelay $0x3  }
0x93: {  	_ =	strace s4  }
0x94: {  	s4 =	sld [smem:$0x3FFC];
	_ =	sdelay $0x3  }
0x95: {  	_ =	strace s4  }
0x96: {  	s4 =	sld [smem:$0x3FFD];
	_ =	sdelay $0x3  }
0x97: {  	_ =	strace s4  }
0x98: {  	_ =	strace $0x8FFFFFFF  }
0x99: {  	s19 =	sld [smem:$0x3FDB];
	_ =	sdelay $0x1  }
0x9a: {  	s5 =	simm.s32 $_scs_section_size  }
0x9b: {  	s6 =	simm.s32 $_size__tile_overlayer_lowered;
	s7 =	simm.s32 $_tile_overlayer_lowered  }
0x9c: {  	s22 =	simm.s32 $0x1BFF;
	s21 =	sshll.u32 s7, $0x1;
	s4 =	sadd.s32 s5, s19  }
0x9d: {  	s8 =	simm.s32 $0x0;
	s20 =	sshll.u32 s6, $0x1;
	s6 =	sadd.s32 s21, s4  }
0x9e: {  	[timem:s8], [sflag:s22] =	dma.local [hbm:s6], s20  }
0x9f: {  	_ =	swait.ge [sflag:s22], s20  }
0xa0: {  	s5 =	ssub.s32 $0x0, s20;
	[sflag:s22] =	ssyncset.done $0x0  }
0xa1: {  	[sflag:s22] =	ssyncadd.s32 s5;
	_ =	sdelay $0x1  }
0xa2: {  	s23 =	simm.s32 $0x1B8B  }
0xa3: {  	_ =	swait.ge [sflag:s23], $0x1  }
0xa4: {  	[sflag:s23] =	ssyncset.done $0x0  }
0xa5: {  	s25 =	simm.s32 $0x1B8E;
	s24 =	sld [smem:$0x3FFE];
	[sflag:s23] =	ssyncadd.s32 $0xFFFFFFFF  }
0xa6: {  	s26 =	simm.s32 $execute0_lowered;
	[smem:$0x3FD2] =	sst s25  }
0xa7: {  	s6 =	sshll.u32 s26, $0x1;
	_ =	strace $0x80000046;
	[dreg:$0x1] =	wrdreg $0xFFFFFFFF  }
0xa8: {  	s28 =	simm.s32 $_size_execute0_lowered;
	s4 =	sadd.s32 s4, s6;
	[dreg:$0x0] =	wrdreg $0x0  }
0xa9: {  	s6 =	sshll.u32 s28, $0x1;
	[dreg:$0x2] =	wrdreg s4  }
0xaa: {  	[dreg:$0x3] =	wrdreg s6  }
0xab: {  	[dreg:$0x4] =	wrdreg $0xC0  }
0xac: {  	_ =	task [dreg:s8], $0x5FFFF  }
0xad: {  	[dreg:$0x1] =	wrdreg $0xFFFFFFFF  }
0xae: {  	[dreg:$0x0] =	wrdreg $0x60  }
0xaf: {  	[dreg:$0x2] =	wrdreg s24  }
0xb0: {  	[dreg:$0x3] =	wrdreg s2  }
0xb1: {  	[dreg:$0x4] =	wrdreg s18  }
0xb2: {  	[dreg:$0x5] =	wrdreg $0x164000  }
0xb3: {  	[dreg:$0x6] =	wrdreg $0x9  }
0xb4: {  	_ =	task.clear_ibuf [dreg:s8], $0x7FFFF;
	_ =	strace $0x90000046  }
0xb5: {  	s29 =	simm.s32 $0x9;
	_ =	strace $0x80000048  }
0xb6: {  	_ =	swait.ge [sflag:s29], $0x1  }
0xb7: {  	[sflag:s29] =	ssyncadd.s32 $0xFFFFFFFF  }
0xb8: {  	_ =	strace $0x90000048  }
0xb9: {  	_ =	sfence  }
0xba: {  	s30 =	sld [smem:$0x0];
	_ =	sdelay $0x2  }
0xbb: {  	s31 =	sshll.u32 s1, $0xD;
	s1 =	sshrl.u32 s1, $0x2  }
0xbc: {  	s3 =	sand.u32 $0x4000, s31;
	s1 =	sadd.s32 s1, s30  }
0xbd: {  	s0 =	sor.u32 s3, s0;
	s1 =	sshll.u32 s1, $0x11  }
0xbe: {  	s0 =	sor.u32 s1, s0  }
0xbf: {  	s0 =	sadd.s32 $0x8F2B, s0  }
0xc0: {  	[sflag:s0] =	ssyncadd.remote.s32 $0x1  }
0xc1: {  	_ =	sfence.sel $0xFFFF  }
0xc2: {  	[dreg:$0x0] =	wrdreg $0xFFFFFFFF;
	(pc) =	sbr.abs _section_cstart, $3  }
0xc3: {  	[dreg:$0x1] =	wrdreg $0xFFFFFFFF  }
0xc4: {  	_ =	task.clear_ibuf [dreg:s8], $0x2FFFF;
	_ =	strace $0x9FFFFFFF  }
0xc5: {  	(tm) =	ssettm $0x7FFFFFFF  }
tec
execute0_lowered:
.L_overlay_start_1:
0x0: {  	(tag) =	ssettag $0x1  }
0x1: {  	s0 =	rddreg [dreg:$0x0]  }
0x2: {  	s1 =	rddreg [dreg:$0x1]  }
0x3: {  	s2 =	srdreg.scid;
	s3 =	rddreg [dreg:$0x2]  }
0x4: {  	s9 =	stileid.u32;
	s5 =	rddreg [dreg:$0x3];
	s7 =	simm.s32 $0x0  }
0x5: {  	s28 =	simm.s32 $0x5;
	s2 =	sand.u32 $0x1, s2;
	s4 =	sshll.u32 s9, $0x1  }
0x6: {  	s30 =	simm.s32 $0x3;
	s20 =	smul.u32 $0xC8000, s9;
	s4 =	sor.u32 s2, s4  }
0x7: {  	s31 =	simm.s32 $0x9;
	s29 =	simm.s32 $0x8;
	s6 =	smul.u32 $0x6400, s4  }
0x8: {  	[smem:$0x7FF] =	sst s7;
	s16 =	sshll.u32 s9, $0xF;
	s8 =	smul.u32 $0x320000, s4  }
0x9: {  	_ =	strace $0x80000047;
	s14 =	ssub.s32 $0x2, s2;
	s4 =	smul.u32 $0x64000, s4  }
0xa: {  	s5 =	sadd.s32 s16, s5;
	s15 =	sshrl.u32 s14, $0x1;
	s6 =	sshrl.u32 s6, $0x3  }
0xb: {  	s7 =	ssub.s32 s14, s15;
	s4 =	sadd.s32 s3, s4;
	s0 =	sadd.s32 s6, s0  }
0xc: {  	s17 =	sshrl.u32 s8, $0x3;
	[dreg:$0x6] =	wrdreg s4;
	s0 =	sadd.s32 $0x400, s0  }
0xd: {  	s25 =	smax.u32 s7, $0x1;
	[dreg:$0x5] =	wrdreg s0;
	s0 =	sadd.s32 s3, s17  }
0xe: {  	s2 =	smul.u32 $0x64000, s2;
	[dreg:$0xe] =	wrdreg s25;
	s18 =	sadd.s32 $0x60800, s0  }
0xf: {  	s6 =	sadd.s32 $0x4000, s5;
	s19 =	sadd.s32 $0x61000, s0;
	[dreg:$0x7] =	wrdreg s18  }
0x10: {  	s25 =	simm.s32 $0x12400;
	s21 =	sadd.s32 $0x61800, s0;
	[dreg:$0x8] =	wrdreg s19  }
0x11: {  	s3 =	sadd.s32 s20, s3;
	s22 =	sadd.s32 $0x62000, s0;
	[dreg:$0x9] =	wrdreg s21  }
0x12: {  	s17 =	simm.s32 $0xB;
	s23 =	sadd.s32 $0x62800, s0;
	[dreg:$0xa] =	wrdreg s22  }
0x13: {  	s20 =	simm.s32 $0xA400;
	s24 =	sadd.s32 $0x63000, s0;
	[dreg:$0xb] =	wrdreg s23  }
0x14: {  	s0 =	sadd.s32 $0x63800, s0;
	s26 =	sadd.s32 s2, s3;
	[dreg:$0xc] =	wrdreg s24  }
0x15: {  	s2 =	simm.s32 $0x6;
	s3 =	simm.s32 $0x0;
	[dreg:$0xd] =	wrdreg s0  }
0x16: {  	s16 =	sadd.s32 $0x2000, s26;
	s18 =	simm.s32 $0x80;
	s19 =	simm.s32 $0x6400  }
0x17: {  	s22 =	simm.s32 $0xE400;
	s23 =	simm.s32 $0x1;
	s26 =	simm.s32 $0x2  }
0x18: {  	s0 =	simm.s32 $0x4;
	s21 =	simm.s32 $0xA;
	s24 =	simm.s32 $0x7  }
.LBB2_1:
0x19: {  	s4 =	simm.s32 $0x0;
	s7 =	rddreg [dreg:$0x5]  }
0x1a: {  	[tilespmem:s4], [sflag:$0xB] =	stream.linear.gather [hbm4b:s7+s4], $0x6400, $0x38;
	[tilespmem:$0x1E400] =	vst v63  }
0x1b: {  	_ =	swait.ge [sflag:s17], $0x6400  }
0x1c: {  	[sflag:s17] =	ssyncset.done $0x0  }
0x1d: {  	[sflag:s17] =	ssyncadd.s32 $0xFFFF9C00  }
0x1e: {  	[tilespmem:s19], [sflag:$0x1] =	stream.indirect.gather [hbm4b:s1+s18], $0x80, s4, s18, $0xb8;
	[tilespmem:$0x1E400] =	vst v63  }
0x1f: {  	_ = 	snop  }
0x20: {  	[tilespmem:s20], [sflag:$0x2] =	stream.indirect.gather [hbm4b:s1+s18], $0x80, s18, s18, $0xb8;
	[tilespmem:$0x1E400] =	vst v63  }
0x21: {  	s8 =	simm.s32 $0x100  }
0x22: {  	[tilespmem:s22], [sflag:$0x3] =	stream.indirect.gather [hbm4b:s1+s18], $0x80, s8, s18, $0xb8;
	[tilespmem:$0x1E400] =	vst v63  }
0x23: {  	_ =	swait.ge [sflag:s23], $0x4000  }
0x24: {  	[sflag:s23] =	ssyncset.done $0x0  }
0x25: {  	[sflag:s23] =	ssyncadd.s32 $0xFFFFC000  }
0x26: {  	[spmem:s5] =	stream.linear.scatter [tilespmem:s19], [sflag:$0x5], $0x4000, $0x38;
	[tilespmem:$0x1E400] =	vst v63  }
0x27: {  	s9 =	simm.s32 $0x180  }
0x28: {  	[tilespmem:s25], [sflag:$0x4] =	stream.indirect.gather [hbm4b:s1+s18], $0x80, s9, s18, $0xb8;
	[tilespmem:$0x1E400] =	vst v63  }
0x29: {  	_ =	swait.ge [sflag:s26], $0x4000  }
0x2a: {  	[sflag:s26] =	ssyncset.done $0x0  }
0x2b: {  	[sflag:s26] =	ssyncadd.s32 $0xFFFFC000  }
0x2c: {  	[spmem:s6] =	stream.linear.scatter [tilespmem:s20], [sflag:$0x6], $0x4000, $0x38;
	[tilespmem:$0x1E400] =	vst v63  }
0x2d: {  	s10 =	stileid.u32;
	s11 =	simm.s32 $0x200;
	_ =	swait.ge [sflag:s28], $0x4000  }
0x2e: {  	s7 =	sshrl.u32 s5, $0x3;
	s8 =	sshll.u32 s10, $0x6;
	[sflag:s28] =	ssyncset.done $0x0  }
0x2f: {  	s4 =	sor.u32 $0x1C09, s8;
	s9 =	rddreg [dreg:$0x6];
	[sflag:s28] =	ssyncadd.s32 $0xFFFFC000  }
0x30: {  	[hbm:s9], [sflag:s4] =	dma.local [spmem:s7], $0x800  }
0x31: {  	[tilespmem:s19], [sflag:$0x1] =	stream.indirect.gather [hbm4b:s1+s18], $0x80, s11, s18, $0xb8;
	[tilespmem:$0x1E400] =	vst v63  }
0x32: {  	_ =	swait.ge [sflag:s30], $0x4000  }
0x33: {  	[sflag:s30] =	ssyncset.done $0x0  }
0x34: {  	[sflag:s30] =	ssyncadd.s32 $0xFFFFC000  }
0x35: {  	_ =	swait.ge [sflag:s31], $0x800  }
0x36: {  	[sflag:s31] =	ssyncset.done $0x0  }
0x37: {  	[sflag:s31] =	ssyncadd.s32 $0xFFFFF800  }
0x38: {  	[spmem:s5] =	stream.linear.scatter [tilespmem:s22], [sflag:$0x7], $0x4000, $0x38;
	[tilespmem:$0x1E400] =	vst v63  }
0x39: {  	_ =	swait.ge [sflag:s2], $0x4000  }
0x3a: {  	s10 =	sadd.s32 $0xFFFFE800, s16;
	s8 =	sor.u32 $0x1C0A, s8;
	[sflag:s2] =	ssyncset.done $0x0  }
0x3b: {  	s9 =	sshrl.u32 s6, $0x3;
	s11 =	simm.s32 $0x280;
	[sflag:s2] =	ssyncadd.s32 $0xFFFFC000  }
0x3c: {  	[hbm:s10], [sflag:s8] =	dma.local [spmem:s9], $0x800  }
0x3d: {  	[tilespmem:s20], [sflag:$0x2] =	stream.indirect.gather [hbm4b:s1+s18], $0x80, s11, s18, $0xb8;
	[tilespmem:$0x1E400] =	vst v63  }
0x3e: {  	_ =	swait.ge [sflag:s0], $0x4000  }
0x3f: {  	[sflag:s0] =	ssyncset.done $0x0  }
0x40: {  	[sflag:s0] =	ssyncadd.s32 $0xFFFFC000  }
0x41: {  	_ =	swait.ge [sflag:s21], $0x800  }
0x42: {  	[sflag:s21] =	ssyncset.done $0x0  }
0x43: {  	[sflag:s21] =	ssyncadd.s32 $0xFFFFF800  }
0x44: {  	[spmem:s6] =	stream.linear.scatter [tilespmem:s25], [sflag:$0x8], $0x4000, $0x38;
	[tilespmem:$0x1E400] =	vst v63  }
0x45: {  	_ =	swait.ge [sflag:s24], $0x4000  }
0x46: {  	[sflag:s24] =	ssyncset.done $0x0  }
0x47: {  	s12 =	sadd.s32 $0xFFFFF000, s16;
	s13 =	simm.s32 $0x300;
	[sflag:s24] =	ssyncadd.s32 $0xFFFFC000  }
0x48: {  	[hbm:s12], [sflag:s4] =	dma.local [spmem:s7], $0x800  }
0x49: {  	[tilespmem:s22], [sflag:$0x3] =	stream.indirect.gather [hbm4b:s1+s18], $0x80, s13, s18, $0xb8;
	[tilespmem:$0x1E400] =	vst v63  }
0x4a: {  	_ =	swait.ge [sflag:s23], $0x4000  }
0x4b: {  	[sflag:s23] =	ssyncset.done $0x0  }
0x4c: {  	[sflag:s23] =	ssyncadd.s32 $0xFFFFC000  }
0x4d: {  	_ =	swait.ge [sflag:s31], $0x800  }
0x4e: {  	[sflag:s31] =	ssyncset.done $0x0  }
0x4f: {  	[sflag:s31] =	ssyncadd.s32 $0xFFFFF800  }
0x50: {  	[spmem:s5] =	stream.linear.scatter [tilespmem:s19], [sflag:$0x5], $0x4000, $0x38;
	[tilespmem:$0x1E400] =	vst v63  }
0x51: {  	_ =	swait.ge [sflag:s29], $0x4000  }
0x52: {  	[sflag:s29] =	ssyncset.done $0x0  }
0x53: {  	s14 =	sadd.s32 $0xFFFFF800, s16;
	s15 =	simm.s32 $0x380;
	[sflag:s29] =	ssyncadd.s32 $0xFFFFC000  }
0x54: {  	[hbm:s14], [sflag:s8] =	dma.local [spmem:s9], $0x800  }
0x55: {  	[tilespmem:s25], [sflag:$0x4] =	stream.indirect.gather [hbm4b:s1+s18], $0x80, s15, s18, $0xb8;
	[tilespmem:$0x1E400] =	vst v63  }
0x56: {  	_ =	swait.ge [sflag:s26], $0x4000  }
0x57: {  	[sflag:s26] =	ssyncset.done $0x0  }
0x58: {  	[sflag:s26] =	ssyncadd.s32 $0xFFFFC000  }
0x59: {  	_ =	swait.ge [sflag:s21], $0x800  }
0x5a: {  	[sflag:s21] =	ssyncset.done $0x0  }
0x5b: {  	[sflag:s21] =	ssyncadd.s32 $0xFFFFF800  }
0x5c: {  	[spmem:s6] =	stream.linear.scatter [tilespmem:s20], [sflag:$0x6], $0x4000, $0x38;
	[tilespmem:$0x1E400] =	vst v63  }
0x5d: {  	_ =	swait.ge [sflag:s28], $0x4000  }
0x5e: {  	s10 =	simm.s32 $0x800;
	[sflag:s28] =	ssyncset.done $0x0  }
0x5f: {  	s11 =	sadd.s32 $0x2000, s16;
	s13 =	simm.s32 $0x400;
	[sflag:s28] =	ssyncadd.s32 $0xFFFFC000  }
0x60: {  	[hbm:s16], [sflag:s4] =	dma.local [spmem:s7], $0x800  }
.LBB2_2:
0x61: {  	[tilespmem:s19], [sflag:$0x1] =	stream.indirect.gather [hbm4b:s1+s18], $0x80, s13, s18, $0xb8;
	[tilespmem:$0x1E400] =	vst v63  }
0x62: {  	p0 =	sne.s32 s10, $0x17800;
	s13 =	smov.u32 s10;
	s10 =	sadd.s32 $0x800, s10  }
0x63: {  	s12 =	smov.u32 s11;
	_ =	swait.ge [sflag:s30], $0x4000  }
0x64: {  	[sflag:s30] =	ssyncset.done $0x0  }
0x65: {  	[sflag:s30] =	ssyncadd.s32 $0xFFFFC000  }
0x66: {  	_ =	swait.ge [sflag:s31], $0x800  }
0x67: {  	[sflag:s31] =	ssyncset.done $0x0  }
0x68: {  	[sflag:s31] =	ssyncadd.s32 $0xFFFFF800  }
0x69: {  	[spmem:s5] =	stream.linear.scatter [tilespmem:s22], [sflag:$0x7], $0x4000, $0x38;
	[tilespmem:$0x1E400] =	vst v63  }
0x6a: {  	_ =	swait.ge [sflag:s2], $0x4000  }
0x6b: {  	s13 =	sshra.s32 s13, $0x2;
	[sflag:s2] =	ssyncset.done $0x0  }
0x6c: {  	s14 =	sadd.s32 $0xFFFFE800, s11;
	s15 =	sadd.s32 $0x280, s13;
	[sflag:s2] =	ssyncadd.s32 $0xFFFFC000  }
0x6d: {  	[hbm:s14], [sflag:s8] =	dma.local [spmem:s9], $0x800  }
0x6e: {  	[tilespmem:s20], [sflag:$0x2] =	stream.indirect.gather [hbm4b:s1+s18], $0x80, s15, s18, $0xb8;
	[tilespmem:$0x1E400] =	vst v63  }
0x6f: {  	_ =	swait.ge [sflag:s0], $0x4000  }
0x70: {  	[sflag:s0] =	ssyncset.done $0x0  }
0x71: {  	[sflag:s0] =	ssyncadd.s32 $0xFFFFC000  }
0x72: {  	_ =	swait.ge [sflag:s21], $0x800  }
0x73: {  	[sflag:s21] =	ssyncset.done $0x0  }
0x74: {  	[sflag:s21] =	ssyncadd.s32 $0xFFFFF800  }
0x75: {  	[spmem:s6] =	stream.linear.scatter [tilespmem:s25], [sflag:$0x8], $0x4000, $0x38;
	[tilespmem:$0x1E400] =	vst v63  }
0x76: {  	_ =	swait.ge [sflag:s24], $0x4000  }
0x77: {  	[sflag:s24] =	ssyncset.done $0x0  }
0x78: {  	s14 =	sadd.s32 $0xFFFFF000, s11;
	s15 =	sadd.s32 $0x300, s13;
	[sflag:s24] =	ssyncadd.s32 $0xFFFFC000  }
0x79: {  	[hbm:s14], [sflag:s4] =	dma.local [spmem:s7], $0x800  }
0x7a: {  	[tilespmem:s22], [sflag:$0x3] =	stream.indirect.gather [hbm4b:s1+s18], $0x80, s15, s18, $0xb8;
	[tilespmem:$0x1E400] =	vst v63  }
0x7b: {  	_ =	swait.ge [sflag:s23], $0x4000  }
0x7c: {  	[sflag:s23] =	ssyncset.done $0x0  }
0x7d: {  	[sflag:s23] =	ssyncadd.s32 $0xFFFFC000  }
0x7e: {  	_ =	swait.ge [sflag:s31], $0x800  }
0x7f: {  	[sflag:s31] =	ssyncset.done $0x0  }
0x80: {  	[sflag:s31] =	ssyncadd.s32 $0xFFFFF800  }
0x81: {  	[spmem:s5] =	stream.linear.scatter [tilespmem:s19], [sflag:$0x5], $0x4000, $0x38;
	[tilespmem:$0x1E400] =	vst v63  }
0x82: {  	_ =	swait.ge [sflag:s29], $0x4000  }
0x83: {  	[sflag:s29] =	ssyncset.done $0x0  }
0x84: {  	s14 =	sadd.s32 $0xFFFFF800, s11;
	s15 =	sadd.s32 $0x380, s13;
	[sflag:s29] =	ssyncadd.s32 $0xFFFFC000  }
0x85: {  	[hbm:s14], [sflag:s8] =	dma.local [spmem:s9], $0x800  }
0x86: {  	[tilespmem:s25], [sflag:$0x4] =	stream.indirect.gather [hbm4b:s1+s18], $0x80, s15, s18, $0xb8;
	[tilespmem:$0x1E400] =	vst v63  }
0x87: {  	_ =	swait.ge [sflag:s26], $0x4000  }
0x88: {  	[sflag:s26] =	ssyncset.done $0x0  }
0x89: {  	[sflag:s26] =	ssyncadd.s32 $0xFFFFC000  }
0x8a: {  	_ =	swait.ge [sflag:s21], $0x800  }
0x8b: {  	[sflag:s21] =	ssyncset.done $0x0  }
0x8c: {  	[sflag:s21] =	ssyncadd.s32 $0xFFFFF800  }
0x8d: {  	[spmem:s6] =	stream.linear.scatter [tilespmem:s20], [sflag:$0x6], $0x4000, $0x38;
	[tilespmem:$0x1E400] =	vst v63  }
.Ltmp0:
0x8e: {  	_ = 	snop;
	(pc) =	sbr.rel @p0 .LBB2_2-.Ltmp0, $4  }
0x8f: {  	_ =	swait.ge [sflag:s28], $0x4000  }
0x90: {  	[sflag:s28] =	ssyncset.done $0x0  }
0x91: {  	s11 =	sadd.s32 $0x2000, s11;
	s13 =	sadd.s32 $0x400, s13;
	[sflag:s28] =	ssyncadd.s32 $0xFFFFC000  }
0x92: {  	[hbm:s12], [sflag:s4] =	dma.local [spmem:s7], $0x800  }
0x93: {  	[tilespmem:s19], [sflag:$0x1] =	stream.indirect.gather [hbm4b:s1+s18], $0x80, s13, s18, $0xb8;
	[tilespmem:$0x1E400] =	vst v63  }
0x94: {  	_ =	swait.ge [sflag:s30], $0x4000  }
0x95: {  	[sflag:s30] =	ssyncset.done $0x0  }
0x96: {  	[sflag:s30] =	ssyncadd.s32 $0xFFFFC000  }
0x97: {  	_ =	swait.ge [sflag:s31], $0x800  }
0x98: {  	[sflag:s31] =	ssyncset.done $0x0  }
0x99: {  	[sflag:s31] =	ssyncadd.s32 $0xFFFFF800  }
0x9a: {  	[spmem:s5] =	stream.linear.scatter [tilespmem:s22], [sflag:$0x7], $0x4000, $0x38;
	[tilespmem:$0x1E400] =	vst v63  }
0x9b: {  	_ =	swait.ge [sflag:s2], $0x4000  }
0x9c: {  	[sflag:s2] =	ssyncset.done $0x0  }
0x9d: {  	s11 =	simm.s32 $0x6280;
	s10 =	rddreg [dreg:$0x7];
	[sflag:s2] =	ssyncadd.s32 $0xFFFFC000  }
0x9e: {  	[hbm:s10], [sflag:s8] =	dma.local [spmem:s9], $0x800  }
0x9f: {  	[tilespmem:s20], [sflag:$0x2] =	stream.indirect.gather [hbm4b:s1+s18], $0x80, s11, s18, $0xb8;
	[tilespmem:$0x1E400] =	vst v63  }
0xa0: {  	_ =	swait.ge [sflag:s0], $0x4000  }
0xa1: {  	[sflag:s0] =	ssyncset.done $0x0  }
0xa2: {  	[sflag:s0] =	ssyncadd.s32 $0xFFFFC000  }
0xa3: {  	_ =	swait.ge [sflag:s21], $0x800  }
0xa4: {  	[sflag:s21] =	ssyncset.done $0x0  }
0xa5: {  	[sflag:s21] =	ssyncadd.s32 $0xFFFFF800  }
0xa6: {  	[spmem:s6] =	stream.linear.scatter [tilespmem:s25], [sflag:$0x8], $0x4000, $0x38;
	[tilespmem:$0x1E400] =	vst v63  }
0xa7: {  	_ =	swait.ge [sflag:s24], $0x4000  }
0xa8: {  	[sflag:s24] =	ssyncset.done $0x0  }
0xa9: {  	s13 =	simm.s32 $0x6300;
	s12 =	rddreg [dreg:$0x8];
	[sflag:s24] =	ssyncadd.s32 $0xFFFFC000  }
0xaa: {  	[hbm:s12], [sflag:s4] =	dma.local [spmem:s7], $0x800  }
0xab: {  	[tilespmem:s22], [sflag:$0x3] =	stream.indirect.gather [hbm4b:s1+s18], $0x80, s13, s18, $0xb8;
	[tilespmem:$0x1E400] =	vst v63  }
0xac: {  	_ =	swait.ge [sflag:s23], $0x4000  }
0xad: {  	[sflag:s23] =	ssyncset.done $0x0  }
0xae: {  	[sflag:s23] =	ssyncadd.s32 $0xFFFFC000  }
0xaf: {  	_ =	swait.ge [sflag:s31], $0x800  }
0xb0: {  	[sflag:s31] =	ssyncset.done $0x0  }
0xb1: {  	[sflag:s31] =	ssyncadd.s32 $0xFFFFF800  }
0xb2: {  	[spmem:s5] =	stream.linear.scatter [tilespmem:s19], [sflag:$0x5], $0x4000, $0x38;
	[tilespmem:$0x1E400] =	vst v63  }
0xb3: {  	_ =	swait.ge [sflag:s29], $0x4000  }
0xb4: {  	[sflag:s29] =	ssyncset.done $0x0  }
0xb5: {  	s15 =	simm.s32 $0x6380;
	s14 =	rddreg [dreg:$0x9];
	[sflag:s29] =	ssyncadd.s32 $0xFFFFC000  }
0xb6: {  	[hbm:s14], [sflag:s8] =	dma.local [spmem:s9], $0x800  }
0xb7: {  	[tilespmem:s25], [sflag:$0x4] =	stream.indirect.gather [hbm4b:s1+s18], $0x80, s15, s18, $0xb8;
	[tilespmem:$0x1E400] =	vst v63  }
0xb8: {  	_ =	swait.ge [sflag:s26], $0x4000  }
0xb9: {  	[sflag:s26] =	ssyncset.done $0x0  }
0xba: {  	[sflag:s26] =	ssyncadd.s32 $0xFFFFC000  }
0xbb: {  	_ =	swait.ge [sflag:s21], $0x800  }
0xbc: {  	[sflag:s21] =	ssyncset.done $0x0  }
0xbd: {  	[sflag:s21] =	ssyncadd.s32 $0xFFFFF800  }
0xbe: {  	[spmem:s6] =	stream.linear.scatter [tilespmem:s20], [sflag:$0x6], $0x4000, $0x38;
	[tilespmem:$0x1E400] =	vst v63  }
0xbf: {  	_ =	swait.ge [sflag:s28], $0x4000  }
0xc0: {  	[sflag:s28] =	ssyncset.done $0x0  }
0xc1: {  	s11 =	rddreg [dreg:$0xa];
	[sflag:s28] =	ssyncadd.s32 $0xFFFFC000  }
0xc2: {  	[hbm:s11], [sflag:s4] =	dma.local [spmem:s7], $0x800  }
0xc3: {  	_ =	swait.ge [sflag:s30], $0x4000  }
0xc4: {  	[sflag:s30] =	ssyncset.done $0x0  }
0xc5: {  	[sflag:s30] =	ssyncadd.s32 $0xFFFFC000  }
0xc6: {  	_ =	swait.ge [sflag:s31], $0x800  }
0xc7: {  	[sflag:s31] =	ssyncset.done $0x0  }
0xc8: {  	[sflag:s31] =	ssyncadd.s32 $0xFFFFF800  }
0xc9: {  	[spmem:s5] =	stream.linear.scatter [tilespmem:s22], [sflag:$0x7], $0x4000, $0x38;
	[tilespmem:$0x1E400] =	vst v63  }
0xca: {  	_ =	swait.ge [sflag:s2], $0x4000  }
0xcb: {  	[sflag:s2] =	ssyncset.done $0x0  }
0xcc: {  	s12 =	rddreg [dreg:$0xb];
	[sflag:s2] =	ssyncadd.s32 $0xFFFFC000  }
0xcd: {  	[hbm:s12], [sflag:s8] =	dma.local [spmem:s9], $0x800  }
0xce: {  	_ =	swait.ge [sflag:s0], $0x4000  }
0xcf: {  	[sflag:s0] =	ssyncset.done $0x0  }
0xd0: {  	[sflag:s0] =	ssyncadd.s32 $0xFFFFC000  }
0xd1: {  	_ =	swait.ge [sflag:s21], $0x800  }
0xd2: {  	[sflag:s21] =	ssyncset.done $0x0  }
0xd3: {  	[sflag:s21] =	ssyncadd.s32 $0xFFFFF800  }
0xd4: {  	[spmem:s6] =	stream.linear.scatter [tilespmem:s25], [sflag:$0x8], $0x4000, $0x38;
	[tilespmem:$0x1E400] =	vst v63  }
0xd5: {  	_ =	swait.ge [sflag:s24], $0x4000  }
0xd6: {  	[sflag:s24] =	ssyncset.done $0x0  }
0xd7: {  	s13 =	rddreg [dreg:$0xc];
	[sflag:s24] =	ssyncadd.s32 $0xFFFFC000  }
0xd8: {  	[hbm:s13], [sflag:s4] =	dma.local [spmem:s7], $0x800  }
0xd9: {  	_ =	swait.ge [sflag:s29], $0x4000  }
0xda: {  	[sflag:s29] =	ssyncset.done $0x0  }
0xdb: {  	s14 =	rddreg [dreg:$0xd];
	[sflag:s29] =	ssyncadd.s32 $0xFFFFC000  }
0xdc: {  	[hbm:s14], [sflag:s8] =	dma.local [spmem:s9], $0x800  }
0xdd: {  	_ =	swait.ge [sflag:s31], $0x800  }
0xde: {  	[sflag:s31] =	ssyncset.done $0x0  }
0xdf: {  	[sflag:s31] =	ssyncadd.s32 $0xFFFFF800  }
0xe0: {  	_ =	swait.ge [sflag:s21], $0x800  }
0xe1: {  	s3 =	sadd.s32 $0x1, s3;
	s15 =	rddreg [dreg:$0xe]  }
0xe2: {  	p0 =	sne.s32 s3, s15  }
.Ltmp1:
0xe3: {  	_ = 	snop;
	(pc) =	sbr.rel @p0 .LBB2_1-.Ltmp1, $3  }
0xe4: {  	_ =	sdelay $0x1  }
0xe5: {  	[sflag:s21] =	ssyncset.done $0x0  }
0xe6: {  	[sflag:s21] =	ssyncadd.s32 $0xFFFFF800  }
0xe7: {  	_ =	sfence.sel $0x180000  }
0xe8: {  	[bflag:$0x0] =	sbarrier.arrive $0xFFFF  }
0xe9: {  	_ =	strace $0x90000047  }
0xea: {  	s0 =	stileid.u32;
	[bflag:$0x2] =	sbarrier.arrive $0xFFFF  }
0xeb: {  	p0 =	sne.s32 s0, $0x0;
	s0 =	rddreg [dreg:$0x4]  }
0xec: {  	s0 =	sadd.s32 @!p0 $0x100000, s0  }
0xed: {  	[sflag:s0] =	ssyncadd.tile.s32 @!p0 $0x1;
	_ =	shalt  }
.Lfunc_end2:
_tile_overlayer_lowered:
.L_overlay_start_2:
0xee: {  	(tag) =	ssettag $0x2  }
0xef: {  	s0 =	rddreg [dreg:$0x0];
	s2 =	stileid.u32  }
0xf0: {  	s1 =	rddreg [dreg:$0x1];
	p0 =	sne.s32 s2, $0x0  }
0xf1: {  	s3 =	rddreg [dreg:$0x2];
	[bflag:$0x3] =	sbarrier.arrive $0xFFFF;
	s2 =	simm.s32 @!p0 $0x1C0B  }
0xf2: {  	[timem:s3], [sflag:s2] =	dma.local @!p0 [hbm:s0], s1  }
0xf3: {  	s0 =	simm.s32 @!p0 $0xB  }
0xf4: {  	_ =	swait.ge @!p0 [sflag:s0], s1  }
0xf5: {  	s1 =	ssub.s32 @!p0 $0x0, s1;
	[sflag:s0] =	ssyncset.done @!p0 $0x0  }
0xf6: {  	[sflag:s0] =	ssyncadd.s32 @!p0 s1  }
0xf7: {  	[bflag:$0x3] =	sbarrier.arrive $0xFFFF  }
0xf8: {  	_ =	shalt  }

</sc_bundles>
